<compile_context>
chip_gen: v7x
topology: tpu7x:2x2x1
jax: 0.10.2.dev20260603
libtpu: 0.0.44.dev20260713+nightly
codegen_flags: <defaults>
</compile_context>

<pallas_src>
import functools

import jax
import jax.numpy as jnp
from jax import lax
from jax.experimental import pallas as pl
from jax.experimental.pallas import tpu as pltpu
from jax.experimental.pallas import tpu_sc as plsc

_BATCH = 16384
_DIM = 64
_NUM_CORES = 2
_NUM_SUBCORES = 16
_NW = _NUM_CORES * _NUM_SUBCORES
_BPW = _BATCH // _NW
_LANES = 16
_CHUNK = 256
_NCHUNK = _BPW // _CHUNK

_mesh = plsc.VectorSubcoreMesh(core_axis_name="c", subcore_axis_name="s")


@functools.partial(
    pl.kernel,
    mesh=_mesh,
    out_type=jax.ShapeDtypeStruct((_BATCH, _DIM), jnp.float32),
    scratch_types=[
        pltpu.VMEM((_BPW,), jnp.int32),
        pltpu.VMEM((_BPW,), jnp.int32),
        pltpu.VMEM((_CHUNK, 2 * _DIM), jnp.float32),
        pltpu.VMEM((_CHUNK, _DIM), jnp.float32),
        pltpu.SemaphoreType.DMA,
    ],
)
def _embedding_gather(idx_hbm, pairs_hbm, out_hbm,
                      idx_v, pidx_v, rows_v, out_v, sem):
    wid = lax.axis_index("s") * _NUM_CORES + lax.axis_index("c")
    base = wid * _BPW
    pltpu.sync_copy(idx_hbm.at[pl.ds(base, _BPW)], idx_v)

    def halve(j, carry):
        sl = pl.ds(j * _LANES, _LANES)
        pidx_v[sl] = idx_v[sl] >> 1
        return carry

    lax.fori_loop(0, _BPW // _LANES, halve, 0, unroll=4)

    for k in range(_NCHUNK):
        pltpu.async_copy(
            pairs_hbm.at[pidx_v.at[pl.ds(k * _CHUNK, _CHUNK)]], rows_v, sem
        ).wait()

        def select(g, carry, k=k):
            hv = (idx_v[pl.ds(k * _CHUNK + g * _LANES, _LANES)] & 1) * _DIM
            for r in range(_LANES):
                col = hv[r]
                i = g * _LANES + r
                for j in range(_DIM // _LANES):
                    out_v[i, pl.ds(j * _LANES, _LANES)] = (
                        rows_v[i, pl.ds(col + j * _LANES, _LANES)]
                    )
            return carry

        lax.fori_loop(0, _CHUNK // _LANES, select, 0)
        pltpu.sync_copy(out_v, out_hbm.at[pl.ds(base + k * _CHUNK, _CHUNK)])


def kernel(c, table):
    pairs = table.reshape(500000, 2 * _DIM)
    return _embedding_gather(c.astype(jnp.int32), pairs)

# --- scband reference (transcript-rebuilt; emitter-appended) ---
"""Pipeline reference for scband-condition-embedding-32452772888763 (READ-ONLY COPY).

The authoritative reference and input builder live on the scoring server;
editing this copy changes nothing except your own understanding.
"""

import jax, jax.numpy as jnp
import numpy as np

NUM_CLASSES = 1000000
DIM = 64
BATCH = 16384

def setup_inputs(seed: int = 0) -> dict:
    key = jax.random.key(seed)
    k1, k2 = jax.random.split(key)
    c = jax.random.randint(k1, (BATCH,), 0, NUM_CLASSES, dtype=jnp.int64 if jax.config.read('jax_enable_x64') else jnp.int32)
    table = jax.random.normal(k2, (NUM_CLASSES, DIM), dtype=jnp.float32)
    return {"c": c, "table": table}

def reference(c, table):
    # nn.Embedding forward: row gather from the embedding table
    return jnp.take(table, c, axis=0)

if __name__ == "__main__":
    import jax
    _d = setup_inputs()
    print(jax.jit(kernel)(*tuple(_d.values())))

</pallas_src>

<mosaic_0001>
#map = affine_map<(d0, d1) -> (0)>
#map1 = affine_map<(d0, d1) -> (0, 0)>
module attributes {stable_mosaic.version = 14 : i64} {
  func.func @_embedding_gather(%arg0: i32, %arg1: i32, %arg2: memref<16384xi32, #tpu.memory_space<hbm>>, %arg3: memref<500000x128xf32, #tpu.memory_space<hbm>>, %arg4: memref<16384x64xf32, #tpu.memory_space<hbm>>, %arg5: memref<512xi32, #tpu.memory_space<vmem>>, %arg6: memref<512xi32, #tpu.memory_space<vmem>>, %arg7: memref<256x128xf32, #tpu.memory_space<vmem>>, %arg8: memref<256x64xf32, #tpu.memory_space<vmem>>, %arg9: memref<!tpu.dma_semaphore, #tpu.memory_space<semaphore_mem>>) attributes {dimension_semantics = [#tpu.dimension_semantics<core_parallel>, #tpu.dimension_semantics<subcore_parallel>], iteration_bounds = array<i64: 2, 16>, scalar_prefetch = 0 : i64, scratch_operands = 5 : i64, tpu.core_type = #tpu.core_type<sc_vector_subcore>, window_params = [{transform_indices = #map}, {transform_indices = #map1}, {transform_indices = #map1}]} {
    %mul3A = arith.constant 2 : i32
    %mul3A_0 = arith.muli %arg1, %mul3A : i32
    %add3A = arith.addi %mul3A_0, %arg0 : i32
    %mul3A_1 = arith.constant 512 : i32
    %mul3A_2 = arith.muli %add3A, %mul3A_1 : i32
    "tpu.region"() ({
      %run_scoped3A = tpu.sem_alloc : memref<!tpu.dma_semaphore, #tpu.memory_space<semaphore_mem>>
      %dma_start3A_42 = tpu.memref_slice %arg2[%mul3A_2] : memref<16384xi32, #tpu.memory_space<hbm>> -> memref<512xi32, #tpu.memory_space<hbm>>
      %dma_start3A_43 = tpu.memref_slice %arg2[%mul3A_2] : memref<16384xi32, #tpu.memory_space<hbm>> -> memref<512xi32, #tpu.memory_space<hbm>>
      tpu.enqueue_dma source(%dma_start3A_43 : memref<512xi32, #tpu.memory_space<hbm>>) target(%arg5 : memref<512xi32, #tpu.memory_space<vmem>>) target_semaphore(%run_scoped3A : memref<!tpu.dma_semaphore, #tpu.memory_space<semaphore_mem>>)
      %dma_wait3A_44 = tpu.memref_slice %arg2[%mul3A_2] : memref<16384xi32, #tpu.memory_space<hbm>> -> memref<512xi32, #tpu.memory_space<hbm>>
      %dma_wait3A_45 = tpu.memref_slice %arg2[%mul3A_2] : memref<16384xi32, #tpu.memory_space<hbm>> -> memref<512xi32, #tpu.memory_space<hbm>>
      tpu.wait_dma2 semaphore(%run_scoped3A : memref<!tpu.dma_semaphore, #tpu.memory_space<semaphore_mem>>) src(%dma_wait3A_45 : memref<512xi32, #tpu.memory_space<hbm>>) dst(%arg5 : memref<512xi32, #tpu.memory_space<vmem>>)
      tpu.yield
    }) : () -> ()
    %scan3A = arith.constant 0 : i32
    %scan3A_3 = arith.constant 0 : i32
    %scan3A_4 = arith.constant 32 : i32
    %scan3A_5 = arith.addi %scan3A_3, %scan3A_4 : i32
    %scan3A_6 = arith.constant 4 : i32
    scf.for %scan3A_42 = %scan3A_3 to %scan3A_5 step %scan3A_6  : i32 {
      %mul3A_43 = arith.constant 16 : i32
      %mul3A_44 = arith.muli %scan3A_42, %mul3A_43 : i32
      %get3A = arith.index_cast %mul3A_44 : i32 to index
      %get3A_45 = tpu.vector_load %arg5[%get3A] {strides = array<i32>} : memref<512xi32, #tpu.memory_space<vmem>>, vector<16xi32>,
      %get3A_46 = vector.shape_cast %get3A_45 : vector<16xi32> to vector<16xi32>
      %shift_right_arithmetic3A = arith.constant 1 : i32
      %shift_right_arithmetic3A_47 = vector.broadcast %shift_right_arithmetic3A : i32 to vector<16xi32>
      %shift_right_arithmetic3A_48 = arith.shrsi %get3A_46, %shift_right_arithmetic3A_47 : vector<16xi32>
      %swap3A = arith.index_cast %mul3A_44 : i32 to index
      %swap3A_49 = tpu.vector_load %arg6[%swap3A] {strides = array<i32>} : memref<512xi32, #tpu.memory_space<vmem>>, vector<16xi32>,
      %swap3A_50 = vector.shape_cast %swap3A_49 : vector<16xi32> to vector<16xi32>
      %swap3A_51 = vector.shape_cast %shift_right_arithmetic3A_48 : vector<16xi32> to vector<16xi32>
      tpu.vector_store %arg6[%swap3A], %swap3A_51 {strides = array<i32>} : memref<512xi32, #tpu.memory_space<vmem>>, vector<16xi32>,
      %scan3A_52 = arith.constant 1 : i32
      %scan3A_53 = arith.addi %scan3A_42, %scan3A_52 : i32
      %mul3A_54 = arith.constant 16 : i32
      %mul3A_55 = arith.muli %scan3A_53, %mul3A_54 : i32
      %get3A_56 = arith.index_cast %mul3A_55 : i32 to index
      %get3A_57 = tpu.vector_load %arg5[%get3A_56] {strides = array<i32>} : memref<512xi32, #tpu.memory_space<vmem>>, vector<16xi32>,
      %get3A_58 = vector.shape_cast %get3A_57 : vector<16xi32> to vector<16xi32>
      %shift_right_arithmetic3A_59 = arith.constant 1 : i32
      %shift_right_arithmetic3A_60 = vector.broadcast %shift_right_arithmetic3A_59 : i32 to vector<16xi32>
      %shift_right_arithmetic3A_61 = arith.shrsi %get3A_58, %shift_right_arithmetic3A_60 : vector<16xi32>
      %swap3A_62 = arith.index_cast %mul3A_55 : i32 to index
      %swap3A_63 = tpu.vector_load %arg6[%swap3A_62] {strides = array<i32>} : memref<512xi32, #tpu.memory_space<vmem>>, vector<16xi32>,
      %swap3A_64 = vector.shape_cast %swap3A_63 : vector<16xi32> to vector<16xi32>
      %swap3A_65 = vector.shape_cast %shift_right_arithmetic3A_61 : vector<16xi32> to vector<16xi32>
      tpu.vector_store %arg6[%swap3A_62], %swap3A_65 {strides = array<i32>} : memref<512xi32, #tpu.memory_space<vmem>>, vector<16xi32>,
      %scan3A_66 = arith.constant 2 : i32
      %scan3A_67 = arith.addi %scan3A_42, %scan3A_66 : i32
      %mul3A_68 = arith.constant 16 : i32
      %mul3A_69 = arith.muli %scan3A_67, %mul3A_68 : i32
      %get3A_70 = arith.index_cast %mul3A_69 : i32 to index
      %get3A_71 = tpu.vector_load %arg5[%get3A_70] {strides = array<i32>} : memref<512xi32, #tpu.memory_space<vmem>>, vector<16xi32>,
      %get3A_72 = vector.shape_cast %get3A_71 : vector<16xi32> to vector<16xi32>
      %shift_right_arithmetic3A_73 = arith.constant 1 : i32
      %shift_right_arithmetic3A_74 = vector.broadcast %shift_right_arithmetic3A_73 : i32 to vector<16xi32>
      %shift_right_arithmetic3A_75 = arith.shrsi %get3A_72, %shift_right_arithmetic3A_74 : vector<16xi32>
      %swap3A_76 = arith.index_cast %mul3A_69 : i32 to index
      %swap3A_77 = tpu.vector_load %arg6[%swap3A_76] {strides = array<i32>} : memref<512xi32, #tpu.memory_space<vmem>>, vector<16xi32>,
      %swap3A_78 = vector.shape_cast %swap3A_77 : vector<16xi32> to vector<16xi32>
      %swap3A_79 = vector.shape_cast %shift_right_arithmetic3A_75 : vector<16xi32> to vector<16xi32>
      tpu.vector_store %arg6[%swap3A_76], %swap3A_79 {strides = array<i32>} : memref<512xi32, #tpu.memory_space<vmem>>, vector<16xi32>,
      %scan3A_80 = arith.constant 3 : i32
      %scan3A_81 = arith.addi %scan3A_42, %scan3A_80 : i32
      %mul3A_82 = arith.constant 16 : i32
      %mul3A_83 = arith.muli %scan3A_81, %mul3A_82 : i32
      %get3A_84 = arith.index_cast %mul3A_83 : i32 to index
      %get3A_85 = tpu.vector_load %arg5[%get3A_84] {strides = array<i32>} : memref<512xi32, #tpu.memory_space<vmem>>, vector<16xi32>,
      %get3A_86 = vector.shape_cast %get3A_85 : vector<16xi32> to vector<16xi32>
      %shift_right_arithmetic3A_87 = arith.constant 1 : i32
      %shift_right_arithmetic3A_88 = vector.broadcast %shift_right_arithmetic3A_87 : i32 to vector<16xi32>
      %shift_right_arithmetic3A_89 = arith.shrsi %get3A_86, %shift_right_arithmetic3A_88 : vector<16xi32>
      %swap3A_90 = arith.index_cast %mul3A_83 : i32 to index
      %swap3A_91 = tpu.vector_load %arg6[%swap3A_90] {strides = array<i32>} : memref<512xi32, #tpu.memory_space<vmem>>, vector<16xi32>,
      %swap3A_92 = vector.shape_cast %swap3A_91 : vector<16xi32> to vector<16xi32>
      %swap3A_93 = vector.shape_cast %shift_right_arithmetic3A_89 : vector<16xi32> to vector<16xi32>
      tpu.vector_store %arg6[%swap3A_90], %swap3A_93 {strides = array<i32>} : memref<512xi32, #tpu.memory_space<vmem>>, vector<16xi32>,
    }
    %scan3A_7 = arith.constant 32 : i32
    %dma_start3A = arith.constant 0 : i32
    %dma_start3A_8 = tpu.memref_slice %arg6[%dma_start3A] : memref<512xi32, #tpu.memory_space<vmem>> -> memref<256xi32, #tpu.memory_space<vmem>>
    %dma_start3A_9 = arith.constant 0 : i32
    %dma_start3A_10 = arith.constant 0 : i32
    %dma_start3A_11 = tpu.memref_slice %arg3[%dma_start3A_9, %dma_start3A_10] : memref<500000x128xf32, #tpu.memory_space<hbm>> -> memref<500000x128xf32, #tpu.memory_space<hbm>>
    tpu.enqueue_indirect_dma source(%dma_start3A_11 : memref<500000x128xf32, #tpu.memory_space<hbm>>) target(%arg7 : memref<256x128xf32, #tpu.memory_space<vmem>>) offsets(%dma_start3A_8 : memref<256xi32, #tpu.memory_space<vmem>>) semaphore(%arg9 : memref<!tpu.dma_semaphore, #tpu.memory_space<semaphore_mem>>)
    %dma_wait3A = arith.constant 0 : i32
    %dma_wait3A_12 = tpu.memref_slice %arg6[%dma_wait3A] : memref<512xi32, #tpu.memory_space<vmem>> -> memref<256xi32, #tpu.memory_space<vmem>>
    %dma_wait3A_13 = arith.constant 0 : i32
    %dma_wait3A_14 = arith.constant 0 : i32
    %dma_wait3A_15 = tpu.memref_slice %arg3[%dma_wait3A_13, %dma_wait3A_14] : memref<500000x128xf32, #tpu.memory_space<hbm>> -> memref<500000x128xf32, #tpu.memory_space<hbm>>
    tpu.wait_indirect_dma semaphore(%arg9 : memref<!tpu.dma_semaphore, #tpu.memory_space<semaphore_mem>>) src(%dma_wait3A_15 : memref<500000x128xf32, #tpu.memory_space<hbm>>) dst(%arg7 : memref<256x128xf32, #tpu.memory_space<vmem>>)
    %scan3A_16 = arith.constant 0 : i32
    %scan3A_17 = arith.constant 0 : i32
    %scan3A_18 = arith.constant 16 : i32
    %scan3A_19 = arith.addi %scan3A_17, %scan3A_18 : i32
    %scan3A_20 = arith.constant 1 : i32
    scf.for %scan3A_42 = %scan3A_17 to %scan3A_19 step %scan3A_20  : i32 {
      %mul3A_43 = arith.constant 16 : i32
      %mul3A_44 = arith.muli %scan3A_42, %mul3A_43 : i32
      %add3A_45 = arith.constant 0 : i32
      %add3A_46 = arith.addi %add3A_45, %mul3A_44 : i32
      %get3A = arith.index_cast %add3A_46 : i32 to index
      %get3A_47 = tpu.vector_load %arg5[%get3A] {strides = array<i32>} : memref<512xi32, #tpu.memory_space<vmem>>, vector<16xi32>,
      %get3A_48 = vector.shape_cast %get3A_47 : vector<16xi32> to vector<16xi32>
      %and3A = arith.constant 1 : i32
      %and3A_49 = vector.broadcast %and3A : i32 to vector<16xi32>
      %and3A_50 = arith.andi %get3A_48, %and3A_49 : vector<16xi32>
      %mul3A_51 = arith.constant 64 : i32
      %mul3A_52 = vector.broadcast %mul3A_51 : i32 to vector<16xi32>
      %mul3A_53 = arith.muli %and3A_50, %mul3A_52 : vector<16xi32>
      %slice3A = vector.extract_strided_slice %mul3A_53 {offsets = [0], sizes = [1], strides = [1]} : vector<16xi32> to vector<1xi32>
      %squeeze3A = vector.extract %slice3A[0] : i32 from vector<1xi32>
      %mul3A_54 = arith.constant 16 : i32
      %mul3A_55 = arith.muli %scan3A_42, %mul3A_54 : i32
      %add3A_56 = arith.constant 0 : i32
      %add3A_57 = arith.addi %mul3A_55, %add3A_56 : i32
      %add3A_58 = arith.constant 0 : i32
      %add3A_59 = arith.addi %squeeze3A, %add3A_58 : i32
      %get3A_60 = arith.index_cast %add3A_57 : i32 to index
      %get3A_61 = arith.index_cast %add3A_59 : i32 to index
      %get3A_62 = tpu.vector_load %arg7[%get3A_60, %get3A_61] {strides = array<i32>} : memref<256x128xf32, #tpu.memory_space<vmem>>, vector<1x16xf32>,
      %get3A_63 = vector.shape_cast %get3A_62 : vector<1x16xf32> to vector<16xf32>
      %swap3A = arith.index_cast %add3A_57 : i32 to index
      %swap3A_64 = arith.constant 0 : index
      %swap3A_65 = tpu.vector_load %arg8[%swap3A, %swap3A_64] {strides = array<i32>} : memref<256x64xf32, #tpu.memory_space<vmem>>, vector<1x16xf32>,
      %swap3A_66 = vector.shape_cast %swap3A_65 : vector<1x16xf32> to vector<16xf32>
      %swap3A_67 = vector.shape_cast %get3A_63 : vector<16xf32> to vector<1x16xf32>
      tpu.vector_store %arg8[%swap3A, %swap3A_64], %swap3A_67 {strides = array<i32>} : memref<256x64xf32, #tpu.memory_space<vmem>>, vector<1x16xf32>,
      %add3A_68 = arith.constant 16 : i32
      %add3A_69 = arith.addi %squeeze3A, %add3A_68 : i32
      %get3A_70 = arith.index_cast %add3A_57 : i32 to index
      %get3A_71 = arith.index_cast %add3A_69 : i32 to index
      %get3A_72 = tpu.vector_load %arg7[%get3A_70, %get3A_71] {strides = array<i32>} : memref<256x128xf32, #tpu.memory_space<vmem>>, vector<1x16xf32>,
      %get3A_73 = vector.shape_cast %get3A_72 : vector<1x16xf32> to vector<16xf32>
      %swap3A_74 = arith.index_cast %add3A_57 : i32 to index
      %swap3A_75 = arith.constant 16 : index
      %swap3A_76 = tpu.vector_load %arg8[%swap3A_74, %swap3A_75] {strides = array<i32>} : memref<256x64xf32, #tpu.memory_space<vmem>>, vector<1x16xf32>,
      %swap3A_77 = vector.shape_cast %swap3A_76 : vector<1x16xf32> to vector<16xf32>
      %swap3A_78 = vector.shape_cast %get3A_73 : vector<16xf32> to vector<1x16xf32>
      tpu.vector_store %arg8[%swap3A_74, %swap3A_75], %swap3A_78 {strides = array<i32>} : memref<256x64xf32, #tpu.memory_space<vmem>>, vector<1x16xf32>,
      %add3A_79 = arith.constant 32 : i32
      %add3A_80 = arith.addi %squeeze3A, %add3A_79 : i32
      %get3A_81 = arith.index_cast %add3A_57 : i32 to index
      %get3A_82 = arith.index_cast %add3A_80 : i32 to index
      %get3A_83 = tpu.vector_load %arg7[%get3A_81, %get3A_82] {strides = array<i32>} : memref<256x128xf32, #tpu.memory_space<vmem>>, vector<1x16xf32>,
      %get3A_84 = vector.shape_cast %get3A_83 : vector<1x16xf32> to vector<16xf32>
      %swap3A_85 = arith.index_cast %add3A_57 : i32 to index
      %swap3A_86 = arith.constant 32 : index
      %swap3A_87 = tpu.vector_load %arg8[%swap3A_85, %swap3A_86] {strides = array<i32>} : memref<256x64xf32, #tpu.memory_space<vmem>>, vector<1x16xf32>,
      %swap3A_88 = vector.shape_cast %swap3A_87 : vector<1x16xf32> to vector<16xf32>
      %swap3A_89 = vector.shape_cast %get3A_84 : vector<16xf32> to vector<1x16xf32>
      tpu.vector_store %arg8[%swap3A_85, %swap3A_86], %swap3A_89 {strides = array<i32>} : memref<256x64xf32, #tpu.memory_space<vmem>>, vector<1x16xf32>,
      %add3A_90 = arith.constant 48 : i32
      %add3A_91 = arith.addi %squeeze3A, %add3A_90 : i32
      %get3A_92 = arith.index_cast %add3A_57 : i32 to index
      %get3A_93 = arith.index_cast %add3A_91 : i32 to index
      %get3A_94 = tpu.vector_load %arg7[%get3A_92, %get3A_93] {strides = array<i32>} : memref<256x128xf32, #tpu.memory_space<vmem>>, vector<1x16xf32>,
      %get3A_95 = vector.shape_cast %get3A_94 : vector<1x16xf32> to vector<16xf32>
      %swap3A_96 = arith.index_cast %add3A_57 : i32 to index
      %swap3A_97 = arith.constant 48 : index
      %swap3A_98 = tpu.vector_load %arg8[%swap3A_96, %swap3A_97] {strides = array<i32>} : memref<256x64xf32, #tpu.memory_space<vmem>>, vector<1x16xf32>,
      %swap3A_99 = vector.shape_cast %swap3A_98 : vector<1x16xf32> to vector<16xf32>
      %swap3A_100 = vector.shape_cast %get3A_95 : vector<16xf32> to vector<1x16xf32>
      tpu.vector_store %arg8[%swap3A_96, %swap3A_97], %swap3A_100 {strides = array<i32>} : memref<256x64xf32, #tpu.memory_space<vmem>>, vector<1x16xf32>,
      %slice3A_101 = vector.extract_strided_slice %mul3A_53 {offsets = [1], sizes = [1], strides = [1]} : vector<16xi32> to vector<1xi32>
      %squeeze3A_102 = vector.extract %slice3A_101[0] : i32 from vector<1xi32>
      %mul3A_103 = arith.constant 16 : i32
      %mul3A_104 = arith.muli %scan3A_42, %mul3A_103 : i32
      %add3A_105 = arith.constant 1 : i32
      %add3A_106 = arith.addi %mul3A_104, %add3A_105 : i32
      %add3A_107 = arith.constant 0 : i32
      %add3A_108 = arith.addi %squeeze3A_102, %add3A_107 : i32
      %get3A_109 = arith.index_cast %add3A_106 : i32 to index
      %get3A_110 = arith.index_cast %add3A_108 : i32 to index
      %get3A_111 = tpu.vector_load %arg7[%get3A_109, %get3A_110] {strides = array<i32>} : memref<256x128xf32, #tpu.memory_space<vmem>>, vector<1x16xf32>,
      %get3A_112 = vector.shape_cast %get3A_111 : vector<1x16xf32> to vector<16xf32>
      %swap3A_113 = arith.index_cast %add3A_106 : i32 to index
      %swap3A_114 = arith.constant 0 : index
      %swap3A_115 = tpu.vector_load %arg8[%swap3A_113, %swap3A_114] {strides = array<i32>} : memref<256x64xf32, #tpu.memory_space<vmem>>, vector<1x16xf32>,
      %swap3A_116 = vector.shape_cast %swap3A_115 : vector<1x16xf32> to vector<16xf32>
      %swap3A_117 = vector.shape_cast %get3A_112 : vector<16xf32> to vector<1x16xf32>
      tpu.vector_store %arg8[%swap3A_113, %swap3A_114], %swap3A_117 {strides = array<i32>} : memref<256x64xf32, #tpu.memory_space<vmem>>, vector<1x16xf32>,
      %add3A_118 = arith.constant 16 : i32
      %add3A_119 = arith.addi %squeeze3A_102, %add3A_118 : i32
      %get3A_120 = arith.index_cast %add3A_106 : i32 to index
      %get3A_121 = arith.index_cast %add3A_119 : i32 to index
      %get3A_122 = tpu.vector_load %arg7[%get3A_120, %get3A_121] {strides = array<i32>} : memref<256x128xf32, #tpu.memory_space<vmem>>, vector<1x16xf32>,
      %get3A_123 = vector.shape_cast %get3A_122 : vector<1x16xf32> to vector<16xf32>
      %swap3A_124 = arith.index_cast %add3A_106 : i32 to index
      %swap3A_125 = arith.constant 16 : index
      %swap3A_126 = tpu.vector_load %arg8[%swap3A_124, %swap3A_125] {strides = array<i32>} : memref<256x64xf32, #tpu.memory_space<vmem>>, vector<1x16xf32>,
      %swap3A_127 = vector.shape_cast %swap3A_126 : vector<1x16xf32> to vector<16xf32>
      %swap3A_128 = vector.shape_cast %get3A_123 : vector<16xf32> to vector<1x16xf32>
      tpu.vector_store %arg8[%swap3A_124, %swap3A_125], %swap3A_128 {strides = array<i32>} : memref<256x64xf32, #tpu.memory_space<vmem>>, vector<1x16xf32>,
      %add3A_129 = arith.constant 32 : i32
      %add3A_130 = arith.addi %squeeze3A_102, %add3A_129 : i32
      %get3A_131 = arith.index_cast %add3A_106 : i32 to index
      %get3A_132 = arith.index_cast %add3A_130 : i32 to index
      %get3A_133 = tpu.vector_load %arg7[%get3A_131, %get3A_132] {strides = array<i32>} : memref<256x128xf32, #tpu.memory_space<vmem>>, vector<1x16xf32>,
      %get3A_134 = vector.shape_cast %get3A_133 : vector<1x16xf32> to vector<16xf32>
      %swap3A_135 = arith.index_cast %add3A_106 : i32 to index
      %swap3A_136 = arith.constant 32 : index
      %swap3A_137 = tpu.vector_load %arg8[%swap3A_135, %swap3A_136] {strides = array<i32>} : memref<256x64xf32, #tpu.memory_space<vmem>>, vector<1x16xf32>,
      %swap3A_138 = vector.shape_cast %swap3A_137 : vector<1x16xf32> to vector<16xf32>
      %swap3A_139 = vector.shape_cast %get3A_134 : vector<16xf32> to vector<1x16xf32>
      tpu.vector_store %arg8[%swap3A_135, %swap3A_136], %swap3A_139 {strides = array<i32>} : memref<256x64xf32, #tpu.memory_space<vmem>>, vector<1x16xf32>,
      %add3A_140 = arith.constant 48 : i32
      %add3A_141 = arith.addi %squeeze3A_102, %add3A_140 : i32
      %get3A_142 = arith.index_cast %add3A_106 : i32 to index
      %get3A_143 = arith.index_cast %add3A_141 : i32 to index
      %get3A_144 = tpu.vector_load %arg7[%get3A_142, %get3A_143] {strides = array<i32>} : memref<256x128xf32, #tpu.memory_space<vmem>>, vector<1x16xf32>,
      %get3A_145 = vector.shape_cast %get3A_144 : vector<1x16xf32> to vector<16xf32>
      %swap3A_146 = arith.index_cast %add3A_106 : i32 to index
      %swap3A_147 = arith.constant 48 : index
      %swap3A_148 = tpu.vector_load %arg8[%swap3A_146, %swap3A_147] {strides = array<i32>} : memref<256x64xf32, #tpu.memory_space<vmem>>, vector<1x16xf32>,
      %swap3A_149 = vector.shape_cast %swap3A_148 : vector<1x16xf32> to vector<16xf32>
      %swap3A_150 = vector.shape_cast %get3A_145 : vector<16xf32> to vector<1x16xf32>
      tpu.vector_store %arg8[%swap3A_146, %swap3A_147], %swap3A_150 {strides = array<i32>} : memref<256x64xf32, #tpu.memory_space<vmem>>, vector<1x16xf32>,
      %slice3A_151 = vector.extract_strided_slice %mul3A_53 {offsets = [2], sizes = [1], strides = [1]} : vector<16xi32> to vector<1xi32>
      %squeeze3A_152 = vector.extract %slice3A_151[0] : i32 from vector<1xi32>
      %mul3A_153 = arith.constant 16 : i32
      %mul3A_154 = arith.muli %scan3A_42, %mul3A_153 : i32
      %add3A_155 = arith.constant 2 : i32
      %add3A_156 = arith.addi %mul3A_154, %add3A_155 : i32
      %add3A_157 = arith.constant 0 : i32
      %add3A_158 = arith.addi %squeeze3A_152, %add3A_157 : i32
      %get3A_159 = arith.index_cast %add3A_156 : i32 to index
      %get3A_160 = arith.index_cast %add3A_158 : i32 to index
      %get3A_161 = tpu.vector_load %arg7[%get3A_159, %get3A_160] {strides = array<i32>} : memref<256x128xf32, #tpu.memory_space<vmem>>, vector<1x16xf32>,
      %get3A_162 = vector.shape_cast %get3A_161 : vector<1x16xf32> to vector<16xf32>
      %swap3A_163 = arith.index_cast %add3A_156 : i32 to index
      %swap3A_164 = arith.constant 0 : index
      %swap3A_165 = tpu.vector_load %arg8[%swap3A_163, %swap3A_164] {strides = array<i32>} : memref<256x64xf32, #tpu.memory_space<vmem>>, vector<1x16xf32>,
      %swap3A_166 = vector.shape_cast %swap3A_165 : vector<1x16xf32> to vector<16xf32>
      %swap3A_167 = vector.shape_cast %get3A_162 : vector<16xf32> to vector<1x16xf32>
      tpu.vector_store %arg8[%swap3A_163, %swap3A_164], %swap3A_167 {strides = array<i32>} : memref<256x64xf32, #tpu.memory_space<vmem>>, vector<1x16xf32>,
      %add3A_168 = arith.constant 16 : i32
      %add3A_169 = arith.addi %squeeze3A_152, %add3A_168 : i32
      %get3A_170 = arith.index_cast %add3A_156 : i32 to index
      %get3A_171 = arith.index_cast %add3A_169 : i32 to index
      %get3A_172 = tpu.vector_load %arg7[%get3A_170, %get3A_171] {strides = array<i32>} : memref<256x128xf32, #tpu.memory_space<vmem>>, vector<1x16xf32>,
      %get3A_173 = vector.shape_cast %get3A_172 : vector<1x16xf32> to vector<16xf32>
      %swap3A_174 = arith.index_cast %add3A_156 : i32 to index
      %swap3A_175 = arith.constant 16 : index
      %swap3A_176 = tpu.vector_load %arg8[%swap3A_174, %swap3A_175] {strides = array<i32>} : memref<256x64xf32, #tpu.memory_space<vmem>>, vector<1x16xf32>,
      %swap3A_177 = vector.shape_cast %swap3A_176 : vector<1x16xf32> to vector<16xf32>
      %swap3A_178 = vector.shape_cast %get3A_173 : vector<16xf32> to vector<1x16xf32>
      tpu.vector_store %arg8[%swap3A_174, %swap3A_175], %swap3A_178 {strides = array<i32>} : memref<256x64xf32, #tpu.memory_space<vmem>>, vector<1x16xf32>,
      %add3A_179 = arith.constant 32 : i32
      %add3A_180 = arith.addi %squeeze3A_152, %add3A_179 : i32
      %get3A_181 = arith.index_cast %add3A_156 : i32 to index
      %get3A_182 = arith.index_cast %add3A_180 : i32 to index
      %get3A_183 = tpu.vector_load %arg7[%get3A_181, %get3A_182] {strides = array<i32>} : memref<256x128xf32, #tpu.memory_space<vmem>>, vector<1x16xf32>,
      %get3A_184 = vector.shape_cast %get3A_183 : vector<1x16xf32> to vector<16xf32>
      %swap3A_185 = arith.index_cast %add3A_156 : i32 to index
      %swap3A_186 = arith.constant 32 : index
      %swap3A_187 = tpu.vector_load %arg8[%swap3A_185, %swap3A_186] {strides = array<i32>} : memref<256x64xf32, #tpu.memory_space<vmem>>, vector<1x16xf32>,
      %swap3A_188 = vector.shape_cast %swap3A_187 : vector<1x16xf32> to vector<16xf32>
      %swap3A_189 = vector.shape_cast %get3A_184 : vector<16xf32> to vector<1x16xf32>
      tpu.vector_store %arg8[%swap3A_185, %swap3A_186], %swap3A_189 {strides = array<i32>} : memref<256x64xf32, #tpu.memory_space<vmem>>, vector<1x16xf32>,
      %add3A_190 = arith.constant 48 : i32
      %add3A_191 = arith.addi %squeeze3A_152, %add3A_190 : i32
      %get3A_192 = arith.index_cast %add3A_156 : i32 to index
      %get3A_193 = arith.index_cast %add3A_191 : i32 to index
      %get3A_194 = tpu.vector_load %arg7[%get3A_192, %get3A_193] {strides = array<i32>} : memref<256x128xf32, #tpu.memory_space<vmem>>, vector<1x16xf32>,
      %get3A_195 = vector.shape_cast %get3A_194 : vector<1x16xf32> to vector<16xf32>
      %swap3A_196 = arith.index_cast %add3A_156 : i32 to index
      %swap3A_197 = arith.constant 48 : index
      %swap3A_198 = tpu.vector_load %arg8[%swap3A_196, %swap3A_197] {strides = array<i32>} : memref<256x64xf32, #tpu.memory_space<vmem>>, vector<1x16xf32>,
      %swap3A_199 = vector.shape_cast %swap3A_198 : vector<1x16xf32> to vector<16xf32>
      %swap3A_200 = vector.shape_cast %get3A_195 : vector<16xf32> to vector<1x16xf32>
      tpu.vector_store %arg8[%swap3A_196, %swap3A_197], %swap3A_200 {strides = array<i32>} : memref<256x64xf32, #tpu.memory_space<vmem>>, vector<1x16xf32>,
      %slice3A_201 = vector.extract_strided_slice %mul3A_53 {offsets = [3], sizes = [1], strides = [1]} : vector<16xi32> to vector<1xi32>
      %squeeze3A_202 = vector.extract %slice3A_201[0] : i32 from vector<1xi32>
      %mul3A_203 = arith.constant 16 : i32
      %mul3A_204 = arith.muli %scan3A_42, %mul3A_203 : i32
      %add3A_205 = arith.constant 3 : i32
      %add3A_206 = arith.addi %mul3A_204, %add3A_205 : i32
      %add3A_207 = arith.constant 0 : i32
      %add3A_208 = arith.addi %squeeze3A_202, %add3A_207 : i32
      %get3A_209 = arith.index_cast %add3A_206 : i32 to index
      %get3A_210 = arith.index_cast %add3A_208 : i32 to index
      %get3A_211 = tpu.vector_load %arg7[%get3A_209, %get3A_210] {strides = array<i32>} : memref<256x128xf32, #tpu.memory_space<vmem>>, vector<1x16xf32>,
      %get3A_212 = vector.shape_cast %get3A_211 : vector<1x16xf32> to vector<16xf32>
      %swap3A_213 = arith.index_cast %add3A_206 : i32 to index
      %swap3A_214 = arith.constant 0 : index
      %swap3A_215 = tpu.vector_load %arg8[%swap3A_213, %swap3A_214] {strides = array<i32>} : memref<256x64xf32, #tpu.memory_space<vmem>>, vector<1x16xf32>,
      %swap3A_216 = vector.shape_cast %swap3A_215 : vector<1x16xf32> to vector<16xf32>
      %swap3A_217 = vector.shape_cast %get3A_212 : vector<16xf32> to vector<1x16xf32>
      tpu.vector_store %arg8[%swap3A_213, %swap3A_214], %swap3A_217 {strides = array<i32>} : memref<256x64xf32, #tpu.memory_space<vmem>>, vector<1x16xf32>,
      %add3A_218 = arith.constant 16 : i32
      %add3A_219 = arith.addi %squeeze3A_202, %add3A_218 : i32
      %get3A_220 = arith.index_cast %add3A_206 : i32 to index
      %get3A_221 = arith.index_cast %add3A_219 : i32 to index
      %get3A_222 = tpu.vector_load %arg7[%get3A_220, %get3A_221] {strides = array<i32>} : memref<256x128xf32, #tpu.memory_space<vmem>>, vector<1x16xf32>,
      %get3A_223 = vector.shape_cast %get3A_222 : vector<1x16xf32> to vector<16xf32>
      %swap3A_224 = arith.index_cast %add3A_206 : i32 to index
      %swap3A_225 = arith.constant 16 : index
      %swap3A_226 = tpu.vector_load %arg8[%swap3A_224, %swap3A_225] {strides = array<i32>} : memref<256x64xf32, #tpu.memory_space<vmem>>, vector<1x16xf32>,
      %swap3A_227 = vector.shape_cast %swap3A_226 : vector<1x16xf32> to vector<16xf32>
      %swap3A_228 = vector.shape_cast %get3A_223 : vector<16xf32> to vector<1x16xf32>
      tpu.vector_store %arg8[%swap3A_224, %swap3A_225], %swap3A_228 {strides = array<i32>} : memref<256x64xf32, #tpu.memory_space<vmem>>, vector<1x16xf32>,
      %add3A_229 = arith.constant 32 : i32
      %add3A_230 = arith.addi %squeeze3A_202, %add3A_229 : i32
      %get3A_231 = arith.index_cast %add3A_206 : i32 to index
      %get3A_232 = arith.index_cast %add3A_230 : i32 to index
      %get3A_233 = tpu.vector_load %arg7[%get3A_231, %get3A_232] {strides = array<i32>} : memref<256x128xf32, #tpu.memory_space<vmem>>, vector<1x16xf32>,
      %get3A_234 = vector.shape_cast %get3A_233 : vector<1x16xf32> to vector<16xf32>
      %swap3A_235 = arith.index_cast %add3A_206 : i32 to index
      %swap3A_236 = arith.constant 32 : index
      %swap3A_237 = tpu.vector_load %arg8[%swap3A_235, %swap3A_236] {strides = array<i32>} : memref<256x64xf32, #tpu.memory_space<vmem>>, vector<1x16xf32>,
      %swap3A_238 = vector.shape_cast %swap3A_237 : vector<1x16xf32> to vector<16xf32>
      %swap3A_239 = vector.shape_cast %get3A_234 : vector<16xf32> to vector<1x16xf32>
      tpu.vector_store %arg8[%swap3A_235, %swap3A_236], %swap3A_239 {strides = array<i32>} : memref<256x64xf32, #tpu.memory_space<vmem>>, vector<1x16xf32>,
      %add3A_240 = arith.constant 48 : i32
      %add3A_241 = arith.addi %squeeze3A_202, %add3A_240 : i32
      %get3A_242 = arith.index_cast %add3A_206 : i32 to index
      %get3A_243 = arith.index_cast %add3A_241 : i32 to index
      %get3A_244 = tpu.vector_load %arg7[%get3A_242, %get3A_243] {strides = array<i32>} : memref<256x128xf32, #tpu.memory_space<vmem>>, vector<1x16xf32>,
      %get3A_245 = vector.shape_cast %get3A_244 : vector<1x16xf32> to vector<16xf32>
      %swap3A_246 = arith.index_cast %add3A_206 : i32 to index
      %swap3A_247 = arith.constant 48 : index
      %swap3A_248 = tpu.vector_load %arg8[%swap3A_246, %swap3A_247] {strides = array<i32>} : memref<256x64xf32, #tpu.memory_space<vmem>>, vector<1x16xf32>,
      %swap3A_249 = vector.shape_cast %swap3A_248 : vector<1x16xf32> to vector<16xf32>
      %swap3A_250 = vector.shape_cast %get3A_245 : vector<16xf32> to vector<1x16xf32>
      tpu.vector_store %arg8[%swap3A_246, %swap3A_247], %swap3A_250 {strides = array<i32>} : memref<256x64xf32, #tpu.memory_space<vmem>>, vector<1x16xf32>,
      %slice3A_251 = vector.extract_strided_slice %mul3A_53 {offsets = [4], sizes = [1], strides = [1]} : vector<16xi32> to vector<1xi32>
      %squeeze3A_252 = vector.extract %slice3A_251[0] : i32 from vector<1xi32>
      %mul3A_253 = arith.constant 16 : i32
      %mul3A_254 = arith.muli %scan3A_42, %mul3A_253 : i32
      %add3A_255 = arith.constant 4 : i32
      %add3A_256 = arith.addi %mul3A_254, %add3A_255 : i32
      %add3A_257 = arith.constant 0 : i32
      %add3A_258 = arith.addi %squeeze3A_252, %add3A_257 : i32
      %get3A_259 = arith.index_cast %add3A_256 : i32 to index
      %get3A_260 = arith.index_cast %add3A_258 : i32 to index
      %get3A_261 = tpu.vector_load %arg7[%get3A_259, %get3A_260] {strides = array<i32>} : memref<256x128xf32, #tpu.memory_space<vmem>>, vector<1x16xf32>,
      %get3A_262 = vector.shape_cast %get3A_261 : vector<1x16xf32> to vector<16xf32>
      %swap3A_263 = arith.index_cast %add3A_256 : i32 to index
      %swap3A_264 = arith.constant 0 : index
      %swap3A_265 = tpu.vector_load %arg8[%swap3A_263, %swap3A_264] {strides = array<i32>} : memref<256x64xf32, #tpu.memory_space<vmem>>, vector<1x16xf32>,
      %swap3A_266 = vector.shape_cast %swap3A_265 : vector<1x16xf32> to vector<16xf32>
      %swap3A_267 = vector.shape_cast %get3A_262 : vector<16xf32> to vector<1x16xf32>
      tpu.vector_store %arg8[%swap3A_263, %swap3A_264], %swap3A_267 {strides = array<i32>} : memref<256x64xf32, #tpu.memory_space<vmem>>, vector<1x16xf32>,
      %add3A_268 = arith.constant 16 : i32
      %add3A_269 = arith.addi %squeeze3A_252, %add3A_268 : i32
      %get3A_270 = arith.index_cast %add3A_256 : i32 to index
      %get3A_271 = arith.index_cast %add3A_269 : i32 to index
      %get3A_272 = tpu.vector_load %arg7[%get3A_270, %get3A_271] {strides = array<i32>} : memref<256x128xf32, #tpu.memory_space<vmem>>, vector<1x16xf32>,
      %get3A_273 = vector.shape_cast %get3A_272 : vector<1x16xf32> to vector<16xf32>
      %swap3A_274 = arith.index_cast %add3A_256 : i32 to index
      %swap3A_275 = arith.constant 16 : index
      %swap3A_276 = tpu.vector_load %arg8[%swap3A_274, %swap3A_275] {strides = array<i32>} : memref<256x64xf32, #tpu.memory_space<vmem>>, vector<1x16xf32>,
      %swap3A_277 = vector.shape_cast %swap3A_276 : vector<1x16xf32> to vector<16xf32>
      %swap3A_278 = vector.shape_cast %get3A_273 : vector<16xf32> to vector<1x16xf32>
      tpu.vector_store %arg8[%swap3A_274, %swap3A_275], %swap3A_278 {strides = array<i32>} : memref<256x64xf32, #tpu.memory_space<vmem>>, vector<1x16xf32>,
      %add3A_279 = arith.constant 32 : i32
      %add3A_280 = arith.addi %squeeze3A_252, %add3A_279 : i32
      %get3A_281 = arith.index_cast %add3A_256 : i32 to index
      %get3A_282 = arith.index_cast %add3A_280 : i32 to index
      %get3A_283 = tpu.vector_load %arg7[%get3A_281, %get3A_282] {strides = array<i32>} : memref<256x128xf32, #tpu.memory_space<vmem>>, vector<1x16xf32>,
      %get3A_284 = vector.shape_cast %get3A_283 : vector<1x16xf32> to vector<16xf32>
      %swap3A_285 = arith.index_cast %add3A_256 : i32 to index
      %swap3A_286 = arith.constant 32 : index
      %swap3A_287 = tpu.vector_load %arg8[%swap3A_285, %swap3A_286] {strides = array<i32>} : memref<256x64xf32, #tpu.memory_space<vmem>>, vector<1x16xf32>,
      %swap3A_288 = vector.shape_cast %swap3A_287 : vector<1x16xf32> to vector<16xf32>
      %swap3A_289 = vector.shape_cast %get3A_284 : vector<16xf32> to vector<1x16xf32>
      tpu.vector_store %arg8[%swap3A_285, %swap3A_286], %swap3A_289 {strides = array<i32>} : memref<256x64xf32, #tpu.memory_space<vmem>>, vector<1x16xf32>,
      %add3A_290 = arith.constant 48 : i32
      %add3A_291 = arith.addi %squeeze3A_252, %add3A_290 : i32
      %get3A_292 = arith.index_cast %add3A_256 : i32 to index
      %get3A_293 = arith.index_cast %add3A_291 : i32 to index
      %get3A_294 = tpu.vector_load %arg7[%get3A_292, %get3A_293] {strides = array<i32>} : memref<256x128xf32, #tpu.memory_space<vmem>>, vector<1x16xf32>,
      %get3A_295 = vector.shape_cast %get3A_294 : vector<1x16xf32> to vector<16xf32>
      %swap3A_296 = arith.index_cast %add3A_256 : i32 to index
      %swap3A_297 = arith.constant 48 : index
      %swap3A_298 = tpu.vector_load %arg8[%swap3A_296, %swap3A_297] {strides = array<i32>} : memref<256x64xf32, #tpu.memory_space<vmem>>, vector<1x16xf32>,
      %swap3A_299 = vector.shape_cast %swap3A_298 : vector<1x16xf32> to vector<16xf32>
      %swap3A_300 = vector.shape_cast %get3A_295 : vector<16xf32> to vector<1x16xf32>
      tpu.vector_store %arg8[%swap3A_296, %swap3A_297], %swap3A_300 {strides = array<i32>} : memref<256x64xf32, #tpu.memory_space<vmem>>, vector<1x16xf32>,
      %slice3A_301 = vector.extract_strided_slice %mul3A_53 {offsets = [5], sizes = [1], strides = [1]} : vector<16xi32> to vector<1xi32>
      %squeeze3A_302 = vector.extract %slice3A_301[0] : i32 from vector<1xi32>
      %mul3A_303 = arith.constant 16 : i32
      %mul3A_304 = arith.muli %scan3A_42, %mul3A_303 : i32
      %add3A_305 = arith.constant 5 : i32
      %add3A_306 = arith.addi %mul3A_304, %add3A_305 : i32
      %add3A_307 = arith.constant 0 : i32
      %add3A_308 = arith.addi %squeeze3A_302, %add3A_307 : i32
      %get3A_309 = arith.index_cast %add3A_306 : i32 to index
      %get3A_310 = arith.index_cast %add3A_308 : i32 to index
      %get3A_311 = tpu.vector_load %arg7[%get3A_309, %get3A_310] {strides = array<i32>} : memref<256x128xf32, #tpu.memory_space<vmem>>, vector<1x16xf32>,
      %get3A_312 = vector.shape_cast %get3A_311 : vector<1x16xf32> to vector<16xf32>
      %swap3A_313 = arith.index_cast %add3A_306 : i32 to index
      %swap3A_314 = arith.constant 0 : index
      %swap3A_315 = tpu.vector_load %arg8[%swap3A_313, %swap3A_314] {strides = array<i32>} : memref<256x64xf32, #tpu.memory_space<vmem>>, vector<1x16xf32>,
      %swap3A_316 = vector.shape_cast %swap3A_315 : vector<1x16xf32> to vector<16xf32>
      %swap3A_317 = vector.shape_cast %get3A_312 : vector<16xf32> to vector<1x16xf32>
      tpu.vector_store %arg8[%swap3A_313, %swap3A_314], %swap3A_317 {strides = array<i32>} : memref<256x64xf32, #tpu.memory_space<vmem>>, vector<1x16xf32>,
      %add3A_318 = arith.constant 16 : i32
      %add3A_319 = arith.addi %squeeze3A_302, %add3A_318 : i32
      %get3A_320 = arith.index_cast %add3A_306 : i32 to index
      %get3A_321 = arith.index_cast %add3A_319 : i32 to index
      %get3A_322 = tpu.vector_load %arg7[%get3A_320, %get3A_321] {strides = array<i32>} : memref<256x128xf32, #tpu.memory_space<vmem>>, vector<1x16xf32>,
      %get3A_323 = vector.shape_cast %get3A_322 : vector<1x16xf32> to vector<16xf32>
      %swap3A_324 = arith.index_cast %add3A_306 : i32 to index
      %swap3A_325 = arith.constant 16 : index
      %swap3A_326 = tpu.vector_load %arg8[%swap3A_324, %swap3A_325] {strides = array<i32>} : memref<256x64xf32, #tpu.memory_space<vmem>>, vector<1x16xf32>,
      %swap3A_327 = vector.shape_cast %swap3A_326 : vector<1x16xf32> to vector<16xf32>
      %swap3A_328 = vector.shape_cast %get3A_323 : vector<16xf32> to vector<1x16xf32>
      tpu.vector_store %arg8[%swap3A_324, %swap3A_325], %swap3A_328 {strides = array<i32>} : memref<256x64xf32, #tpu.memory_space<vmem>>, vector<1x16xf32>,
      %add3A_329 = arith.constant 32 : i32
      %add3A_330 = arith.addi %squeeze3A_302, %add3A_329 : i32
      %get3A_331 = arith.index_cast %add3A_306 : i32 to index
      %get3A_332 = arith.index_cast %add3A_330 : i32 to index
      %get3A_333 = tpu.vector_load %arg7[%get3A_331, %get3A_332] {strides = array<i32>} : memref<256x128xf32, #tpu.memory_space<vmem>>, vector<1x16xf32>,
      %get3A_334 = vector.shape_cast %get3A_333 : vector<1x16xf32> to vector<16xf32>
      %swap3A_335 = arith.index_cast %add3A_306 : i32 to index
      %swap3A_336 = arith.constant 32 : index
      %swap3A_337 = tpu.vector_load %arg8[%swap3A_335, %swap3A_336] {strides = array<i32>} : memref<256x64xf32, #tpu.memory_space<vmem>>, vector<1x16xf32>,
      %swap3A_338 = vector.shape_cast %swap3A_337 : vector<1x16xf32> to vector<16xf32>
      %swap3A_339 = vector.shape_cast %get3A_334 : vector<16xf32> to vector<1x16xf32>
      tpu.vector_store %arg8[%swap3A_335, %swap3A_336], %swap3A_339 {strides = array<i32>} : memref<256x64xf32, #tpu.memory_space<vmem>>, vector<1x16xf32>,
      %add3A_340 = arith.constant 48 : i32
      %add3A_341 = arith.addi %squeeze3A_302, %add3A_340 : i32
      %get3A_342 = arith.index_cast %add3A_306 : i32 to index
      %get3A_343 = arith.index_cast %add3A_341 : i32 to index
      %get3A_344 = tpu.vector_load %arg7[%get3A_342, %get3A_343] {strides = array<i32>} : memref<256x128xf32, #tpu.memory_space<vmem>>, vector<1x16xf32>,
      %get3A_345 = vector.shape_cast %get3A_344 : vector<1x16xf32> to vector<16xf32>
      %swap3A_346 = arith.index_cast %add3A_306 : i32 to index
      %swap3A_347 = arith.constant 48 : index
      %swap3A_348 = tpu.vector_load %arg8[%swap3A_346, %swap3A_347] {strides = array<i32>} : memref<256x64xf32, #tpu.memory_space<vmem>>, vector<1x16xf32>,
      %swap3A_349 = vector.shape_cast %swap3A_348 : vector<1x16xf32> to vector<16xf32>
      %swap3A_350 = vector.shape_cast %get3A_345 : vector<16xf32> to vector<1x16xf32>
      tpu.vector_store %arg8[%swap3A_346, %swap3A_347], %swap3A_350 {strides = array<i32>} : memref<256x64xf32, #tpu.memory_space<vmem>>, vector<1x16xf32>,
      %slice3A_351 = vector.extract_strided_slice %mul3A_53 {offsets = [6], sizes = [1], strides = [1]} : vector<16xi32> to vector<1xi32>
      %squeeze3A_352 = vector.extract %slice3A_351[0] : i32 from vector<1xi32>
      %mul3A_353 = arith.constant 16 : i32
      %mul3A_354 = arith.muli %scan3A_42, %mul3A_353 : i32
      %add3A_355 = arith.constant 6 : i32
      %add3A_356 = arith.addi %mul3A_354, %add3A_355 : i32
      %add3A_357 = arith.constant 0 : i32
      %add3A_358 = arith.addi %squeeze3A_352, %add3A_357 : i32
      %get3A_359 = arith.index_cast %add3A_356 : i32 to index
      %get3A_360 = arith.index_cast %add3A_358 : i32 to index
      %get3A_361 = tpu.vector_load %arg7[%get3A_359, %get3A_360] {strides = array<i32>} : memref<256x128xf32, #tpu.memory_space<vmem>>, vector<1x16xf32>,
      %get3A_362 = vector.shape_cast %get3A_361 : vector<1x16xf32> to vector<16xf32>
      %swap3A_363 = arith.index_cast %add3A_356 : i32 to index
      %swap3A_364 = arith.constant 0 : index
      %swap3A_365 = tpu.vector_load %arg8[%swap3A_363, %swap3A_364] {strides = array<i32>} : memref<256x64xf32, #tpu.memory_space<vmem>>, vector<1x16xf32>,
      %swap3A_366 = vector.shape_cast %swap3A_365 : vector<1x16xf32> to vector<16xf32>
      %swap3A_367 = vector.shape_cast %get3A_362 : vector<16xf32> to vector<1x16xf32>
      tpu.vector_store %arg8[%swap3A_363, %swap3A_364], %swap3A_367 {strides = array<i32>} : memref<256x64xf32, #tpu.memory_space<vmem>>, vector<1x16xf32>,
      %add3A_368 = arith.constant 16 : i32
      %add3A_369 = arith.addi %squeeze3A_352, %add3A_368 : i32
      %get3A_370 = arith.index_cast %add3A_356 : i32 to index
      %get3A_371 = arith.index_cast %add3A_369 : i32 to index
      %get3A_372 = tpu.vector_load %arg7[%get3A_370, %get3A_371] {strides = array<i32>} : memref<256x128xf32, #tpu.memory_space<vmem>>, vector<1x16xf32>,
      %get3A_373 = vector.shape_cast %get3A_372 : vector<1x16xf32> to vector<16xf32>
      %swap3A_374 = arith.index_cast %add3A_356 : i32 to index
      %swap3A_375 = arith.constant 16 : index
      %swap3A_376 = tpu.vector_load %arg8[%swap3A_374, %swap3A_375] {strides = array<i32>} : memref<256x64xf32, #tpu.memory_space<vmem>>, vector<1x16xf32>,
      %swap3A_377 = vector.shape_cast %swap3A_376 : vector<1x16xf32> to vector<16xf32>
      %swap3A_378 = vector.shape_cast %get3A_373 : vector<16xf32> to vector<1x16xf32>
      tpu.vector_store %arg8[%swap3A_374, %swap3A_375], %swap3A_378 {strides = array<i32>} : memref<256x64xf32, #tpu.memory_space<vmem>>, vector<1x16xf32>,
      %add3A_379 = arith.constant 32 : i32
      %add3A_380 = arith.addi %squeeze3A_352, %add3A_379 : i32
      %get3A_381 = arith.index_cast %add3A_356 : i32 to index
      %get3A_382 = arith.index_cast %add3A_380 : i32 to index
      %get3A_383 = tpu.vector_load %arg7[%get3A_381, %get3A_382] {strides = array<i32>} : memref<256x128xf32, #tpu.memory_space<vmem>>, vector<1x16xf32>,
      %get3A_384 = vector.shape_cast %get3A_383 : vector<1x16xf32> to vector<16xf32>
      %swap3A_385 = arith.index_cast %add3A_356 : i32 to index
      %swap3A_386 = arith.constant 32 : index
      %swap3A_387 = tpu.vector_load %arg8[%swap3A_385, %swap3A_386] {strides = array<i32>} : memref<256x64xf32, #tpu.memory_space<vmem>>, vector<1x16xf32>,
      %swap3A_388 = vector.shape_cast %swap3A_387 : vector<1x16xf32> to vector<16xf32>
      %swap3A_389 = vector.shape_cast %get3A_384 : vector<16xf32> to vector<1x16xf32>
      tpu.vector_store %arg8[%swap3A_385, %swap3A_386], %swap3A_389 {strides = array<i32>} : memref<256x64xf32, #tpu.memory_space<vmem>>, vector<1x16xf32>,
      %add3A_390 = arith.constant 48 : i32
      %add3A_391 = arith.addi %squeeze3A_352, %add3A_390 : i32
      %get3A_392 = arith.index_cast %add3A_356 : i32 to index
      %get3A_393 = arith.index_cast %add3A_391 : i32 to index
      %get3A_394 = tpu.vector_load %arg7[%get3A_392, %get3A_393] {strides = array<i32>} : memref<256x128xf32, #tpu.memory_space<vmem>>, vector<1x16xf32>,
      %get3A_395 = vector.shape_cast %get3A_394 : vector<1x16xf32> to vector<16xf32>
      %swap3A_396 = arith.index_cast %add3A_356 : i32 to index
      %swap3A_397 = arith.constant 48 : index
      %swap3A_398 = tpu.vector_load %arg8[%swap3A_396, %swap3A_397] {strides = array<i32>} : memref<256x64xf32, #tpu.memory_space<vmem>>, vector<1x16xf32>,
      %swap3A_399 = vector.shape_cast %swap3A_398 : vector<1x16xf32> to vector<16xf32>
      %swap3A_400 = vector.shape_cast %get3A_395 : vector<16xf32> to vector<1x16xf32>
      tpu.vector_store %arg8[%swap3A_396, %swap3A_397], %swap3A_400 {strides = array<i32>} : memref<256x64xf32, #tpu.memory_space<vmem>>, vector<1x16xf32>,
      %slice3A_401 = vector.extract_strided_slice %mul3A_53 {offsets = [7], sizes = [1], strides = [1]} : vector<16xi32> to vector<1xi32>
      %squeeze3A_402 = vector.extract %slice3A_401[0] : i32 from vector<1xi32>
      %mul3A_403 = arith.constant 16 : i32
      %mul3A_404 = arith.muli %scan3A_42, %mul3A_403 : i32
      %add3A_405 = arith.constant 7 : i32
      %add3A_406 = arith.addi %mul3A_404, %add3A_405 : i32
      %add3A_407 = arith.constant 0 : i32
      %add3A_408 = arith.addi %squeeze3A_402, %add3A_407 : i32
      %get3A_409 = arith.index_cast %add3A_406 : i32 to index
      %get3A_410 = arith.index_cast %add3A_408 : i32 to index
      %get3A_411 = tpu.vector_load %arg7[%get3A_409, %get3A_410] {strides = array<i32>} : memref<256x128xf32, #tpu.memory_space<vmem>>, vector<1x16xf32>,
      %get3A_412 = vector.shape_cast %get3A_411 : vector<1x16xf32> to vector<16xf32>
      %swap3A_413 = arith.index_cast %add3A_406 : i32 to index
      %swap3A_414 = arith.constant 0 : index
      %swap3A_415 = tpu.vector_load %arg8[%swap3A_413, %swap3A_414] {strides = array<i32>} : memref<256x64xf32, #tpu.memory_space<vmem>>, vector<1x16xf32>,
      %swap3A_416 = vector.shape_cast %swap3A_415 : vector<1x16xf32> to vector<16xf32>
      %swap3A_417 = vector.shape_cast %get3A_412 : vector<16xf32> to vector<1x16xf32>
      tpu.vector_store %arg8[%swap3A_413, %swap3A_414], %swap3A_417 {strides = array<i32>} : memref<256x64xf32, #tpu.memory_space<vmem>>, vector<1x16xf32>,
      %add3A_418 = arith.constant 16 : i32
      %add3A_419 = arith.addi %squeeze3A_402, %add3A_418 : i32
      %get3A_420 = arith.index_cast %add3A_406 : i32 to index
      %get3A_421 = arith.index_cast %add3A_419 : i32 to index
      %get3A_422 = tpu.vector_load %arg7[%get3A_420, %get3A_421] {strides = array<i32>} : memref<256x128xf32, #tpu.memory_space<vmem>>, vector<1x16xf32>,
      %get3A_423 = vector.shape_cast %get3A_422 : vector<1x16xf32> to vector<16xf32>
      %swap3A_424 = arith.index_cast %add3A_406 : i32 to index
      %swap3A_425 = arith.constant 16 : index
      %swap3A_426 = tpu.vector_load %arg8[%swap3A_424, %swap3A_425] {strides = array<i32>} : memref<256x64xf32, #tpu.memory_space<vmem>>, vector<1x16xf32>,
      %swap3A_427 = vector.shape_cast %swap3A_426 : vector<1x16xf32> to vector<16xf32>
      %swap3A_428 = vector.shape_cast %get3A_423 : vector<16xf32> to vector<1x16xf32>
      tpu.vector_store %arg8[%swap3A_424, %swap3A_425], %swap3A_428 {strides = array<i32>} : memref<256x64xf32, #tpu.memory_space<vmem>>, vector<1x16xf32>,
      %add3A_429 = arith.constant 32 : i32
      %add3A_430 = arith.addi %squeeze3A_402, %add3A_429 : i32
      %get3A_431 = arith.index_cast %add3A_406 : i32 to index
      %get3A_432 = arith.index_cast %add3A_430 : i32 to index
      %get3A_433 = tpu.vector_load %arg7[%get3A_431, %get3A_432] {strides = array<i32>} : memref<256x128xf32, #tpu.memory_space<vmem>>, vector<1x16xf32>,
      %get3A_434 = vector.shape_cast %get3A_433 : vector<1x16xf32> to vector<16xf32>
      %swap3A_435 = arith.index_cast %add3A_406 : i32 to index
      %swap3A_436 = arith.constant 32 : index
      %swap3A_437 = tpu.vector_load %arg8[%swap3A_435, %swap3A_436] {strides = array<i32>} : memref<256x64xf32, #tpu.memory_space<vmem>>, vector<1x16xf32>,
      %swap3A_438 = vector.shape_cast %swap3A_437 : vector<1x16xf32> to vector<16xf32>
      %swap3A_439 = vector.shape_cast %get3A_434 : vector<16xf32> to vector<1x16xf32>
      tpu.vector_store %arg8[%swap3A_435, %swap3A_436], %swap3A_439 {strides = array<i32>} : memref<256x64xf32, #tpu.memory_space<vmem>>, vector<1x16xf32>,
      %add3A_440 = arith.constant 48 : i32
      %add3A_441 = arith.addi %squeeze3A_402, %add3A_440 : i32
      %get3A_442 = arith.index_cast %add3A_406 : i32 to index
      %get3A_443 = arith.index_cast %add3A_441 : i32 to index
      %get3A_444 = tpu.vector_load %arg7[%get3A_442, %get3A_443] {strides = array<i32>} : memref<256x128xf32, #tpu.memory_space<vmem>>, vector<1x16xf32>,
      %get3A_445 = vector.shape_cast %get3A_444 : vector<1x16xf32> to vector<16xf32>
      %swap3A_446 = arith.index_cast %add3A_406 : i32 to index
      %swap3A_447 = arith.constant 48 : index
      %swap3A_448 = tpu.vector_load %arg8[%swap3A_446, %swap3A_447] {strides = array<i32>} : memref<256x64xf32, #tpu.memory_space<vmem>>, vector<1x16xf32>,
      %swap3A_449 = vector.shape_cast %swap3A_448 : vector<1x16xf32> to vector<16xf32>
      %swap3A_450 = vector.shape_cast %get3A_445 : vector<16xf32> to vector<1x16xf32>
      tpu.vector_store %arg8[%swap3A_446, %swap3A_447], %swap3A_450 {strides = array<i32>} : memref<256x64xf32, #tpu.memory_space<vmem>>, vector<1x16xf32>,
      %slice3A_451 = vector.extract_strided_slice %mul3A_53 {offsets = [8], sizes = [1], strides = [1]} : vector<16xi32> to vector<1xi32>
      %squeeze3A_452 = vector.extract %slice3A_451[0] : i32 from vector<1xi32>
      %mul3A_453 = arith.constant 16 : i32
      %mul3A_454 = arith.muli %scan3A_42, %mul3A_453 : i32
      %add3A_455 = arith.constant 8 : i32
      %add3A_456 = arith.addi %mul3A_454, %add3A_455 : i32
      %add3A_457 = arith.constant 0 : i32
      %add3A_458 = arith.addi %squeeze3A_452, %add3A_457 : i32
      %get3A_459 = arith.index_cast %add3A_456 : i32 to index
      %get3A_460 = arith.index_cast %add3A_458 : i32 to index
      %get3A_461 = tpu.vector_load %arg7[%get3A_459, %get3A_460] {strides = array<i32>} : memref<256x128xf32, #tpu.memory_space<vmem>>, vector<1x16xf32>,
      %get3A_462 = vector.shape_cast %get3A_461 : vector<1x16xf32> to vector<16xf32>
      %swap3A_463 = arith.index_cast %add3A_456 : i32 to index
      %swap3A_464 = arith.constant 0 : index
      %swap3A_465 = tpu.vector_load %arg8[%swap3A_463, %swap3A_464] {strides = array<i32>} : memref<256x64xf32, #tpu.memory_space<vmem>>, vector<1x16xf32>,
      %swap3A_466 = vector.shape_cast %swap3A_465 : vector<1x16xf32> to vector<16xf32>
      %swap3A_467 = vector.shape_cast %get3A_462 : vector<16xf32> to vector<1x16xf32>
      tpu.vector_store %arg8[%swap3A_463, %swap3A_464], %swap3A_467 {strides = array<i32>} : memref<256x64xf32, #tpu.memory_space<vmem>>, vector<1x16xf32>,
      %add3A_468 = arith.constant 16 : i32
      %add3A_469 = arith.addi %squeeze3A_452, %add3A_468 : i32
      %get3A_470 = arith.index_cast %add3A_456 : i32 to index
      %get3A_471 = arith.index_cast %add3A_469 : i32 to index
      %get3A_472 = tpu.vector_load %arg7[%get3A_470, %get3A_471] {strides = array<i32>} : memref<256x128xf32, #tpu.memory_space<vmem>>, vector<1x16xf32>,
      %get3A_473 = vector.shape_cast %get3A_472 : vector<1x16xf32> to vector<16xf32>
      %swap3A_474 = arith.index_cast %add3A_456 : i32 to index
      %swap3A_475 = arith.constant 16 : index
      %swap3A_476 = tpu.vector_load %arg8[%swap3A_474, %swap3A_475] {strides = array<i32>} : memref<256x64xf32, #tpu.memory_space<vmem>>, vector<1x16xf32>,
      %swap3A_477 = vector.shape_cast %swap3A_476 : vector<1x16xf32> to vector<16xf32>
      %swap3A_478 = vector.shape_cast %get3A_473 : vector<16xf32> to vector<1x16xf32>
      tpu.vector_store %arg8[%swap3A_474, %swap3A_475], %swap3A_478 {strides = array<i32>} : memref<256x64xf32, #tpu.memory_space<vmem>>, vector<1x16xf32>,
      %add3A_479 = arith.constant 32 : i32
      %add3A_480 = arith.addi %squeeze3A_452, %add3A_479 : i32
      %get3A_481 = arith.index_cast %add3A_456 : i32 to index
      %get3A_482 = arith.index_cast %add3A_480 : i32 to index
      %get3A_483 = tpu.vector_load %arg7[%get3A_481, %get3A_482] {strides = array<i32>} : memref<256x128xf32, #tpu.memory_space<vmem>>, vector<1x16xf32>,
      %get3A_484 = vector.shape_cast %get3A_483 : vector<1x16xf32> to vector<16xf32>
      %swap3A_485 = arith.index_cast %add3A_456 : i32 to index
      %swap3A_486 = arith.constant 32 : index
      %swap3A_487 = tpu.vector_load %arg8[%swap3A_485, %swap3A_486] {strides = array<i32>} : memref<256x64xf32, #tpu.memory_space<vmem>>, vector<1x16xf32>,
      %swap3A_488 = vector.shape_cast %swap3A_487 : vector<1x16xf32> to vector<16xf32>
      %swap3A_489 = vector.shape_cast %get3A_484 : vector<16xf32> to vector<1x16xf32>
      tpu.vector_store %arg8[%swap3A_485, %swap3A_486], %swap3A_489 {strides = array<i32>} : memref<256x64xf32, #tpu.memory_space<vmem>>, vector<1x16xf32>,
      %add3A_490 = arith.constant 48 : i32
      %add3A_491 = arith.addi %squeeze3A_452, %add3A_490 : i32
      %get3A_492 = arith.index_cast %add3A_456 : i32 to index
      %get3A_493 = arith.index_cast %add3A_491 : i32 to index
      %get3A_494 = tpu.vector_load %arg7[%get3A_492, %get3A_493] {strides = array<i32>} : memref<256x128xf32, #tpu.memory_space<vmem>>, vector<1x16xf32>,
      %get3A_495 = vector.shape_cast %get3A_494 : vector<1x16xf32> to vector<16xf32>
      %swap3A_496 = arith.index_cast %add3A_456 : i32 to index
      %swap3A_497 = arith.constant 48 : index
      %swap3A_498 = tpu.vector_load %arg8[%swap3A_496, %swap3A_497] {strides = array<i32>} : memref<256x64xf32, #tpu.memory_space<vmem>>, vector<1x16xf32>,
      %swap3A_499 = vector.shape_cast %swap3A_498 : vector<1x16xf32> to vector<16xf32>
      %swap3A_500 = vector.shape_cast %get3A_495 : vector<16xf32> to vector<1x16xf32>
      tpu.vector_store %arg8[%swap3A_496, %swap3A_497], %swap3A_500 {strides = array<i32>} : memref<256x64xf32, #tpu.memory_space<vmem>>, vector<1x16xf32>,
      %slice3A_501 = vector.extract_strided_slice %mul3A_53 {offsets = [9], sizes = [1], strides = [1]} : vector<16xi32> to vector<1xi32>
      %squeeze3A_502 = vector.extract %slice3A_501[0] : i32 from vector<1xi32>
      %mul3A_503 = arith.constant 16 : i32
      %mul3A_504 = arith.muli %scan3A_42, %mul3A_503 : i32
      %add3A_505 = arith.constant 9 : i32
      %add3A_506 = arith.addi %mul3A_504, %add3A_505 : i32
      %add3A_507 = arith.constant 0 : i32
      %add3A_508 = arith.addi %squeeze3A_502, %add3A_507 : i32
      %get3A_509 = arith.index_cast %add3A_506 : i32 to index
      %get3A_510 = arith.index_cast %add3A_508 : i32 to index
      %get3A_511 = tpu.vector_load %arg7[%get3A_509, %get3A_510] {strides = array<i32>} : memref<256x128xf32, #tpu.memory_space<vmem>>, vector<1x16xf32>,
      %get3A_512 = vector.shape_cast %get3A_511 : vector<1x16xf32> to vector<16xf32>
      %swap3A_513 = arith.index_cast %add3A_506 : i32 to index
      %swap3A_514 = arith.constant 0 : index
      %swap3A_515 = tpu.vector_load %arg8[%swap3A_513, %swap3A_514] {strides = array<i32>} : memref<256x64xf32, #tpu.memory_space<vmem>>, vector<1x16xf32>,
      %swap3A_516 = vector.shape_cast %swap3A_515 : vector<1x16xf32> to vector<16xf32>
      %swap3A_517 = vector.shape_cast %get3A_512 : vector<16xf32> to vector<1x16xf32>
      tpu.vector_store %arg8[%swap3A_513, %swap3A_514], %swap3A_517 {strides = array<i32>} : memref<256x64xf32, #tpu.memory_space<vmem>>, vector<1x16xf32>,
      %add3A_518 = arith.constant 16 : i32
      %add3A_519 = arith.addi %squeeze3A_502, %add3A_518 : i32
      %get3A_520 = arith.index_cast %add3A_506 : i32 to index
      %get3A_521 = arith.index_cast %add3A_519 : i32 to index
      %get3A_522 = tpu.vector_load %arg7[%get3A_520, %get3A_521] {strides = array<i32>} : memref<256x128xf32, #tpu.memory_space<vmem>>, vector<1x16xf32>,
      %get3A_523 = vector.shape_cast %get3A_522 : vector<1x16xf32> to vector<16xf32>
      %swap3A_524 = arith.index_cast %add3A_506 : i32 to index
      %swap3A_525 = arith.constant 16 : index
      %swap3A_526 = tpu.vector_load %arg8[%swap3A_524, %swap3A_525] {strides = array<i32>} : memref<256x64xf32, #tpu.memory_space<vmem>>, vector<1x16xf32>,
      %swap3A_527 = vector.shape_cast %swap3A_526 : vector<1x16xf32> to vector<16xf32>
      %swap3A_528 = vector.shape_cast %get3A_523 : vector<16xf32> to vector<1x16xf32>
      tpu.vector_store %arg8[%swap3A_524, %swap3A_525], %swap3A_528 {strides = array<i32>} : memref<256x64xf32, #tpu.memory_space<vmem>>, vector<1x16xf32>,
      %add3A_529 = arith.constant 32 : i32
      %add3A_530 = arith.addi %squeeze3A_502, %add3A_529 : i32
      %get3A_531 = arith.index_cast %add3A_506 : i32 to index
      %get3A_532 = arith.index_cast %add3A_530 : i32 to index
      %get3A_533 = tpu.vector_load %arg7[%get3A_531, %get3A_532] {strides = array<i32>} : memref<256x128xf32, #tpu.memory_space<vmem>>, vector<1x16xf32>,
      %get3A_534 = vector.shape_cast %get3A_533 : vector<1x16xf32> to vector<16xf32>
      %swap3A_535 = arith.index_cast %add3A_506 : i32 to index
      %swap3A_536 = arith.constant 32 : index
      %swap3A_537 = tpu.vector_load %arg8[%swap3A_535, %swap3A_536] {strides = array<i32>} : memref<256x64xf32, #tpu.memory_space<vmem>>, vector<1x16xf32>,
      %swap3A_538 = vector.shape_cast %swap3A_537 : vector<1x16xf32> to vector<16xf32>
      %swap3A_539 = vector.shape_cast %get3A_534 : vector<16xf32> to vector<1x16xf32>
      tpu.vector_store %arg8[%swap3A_535, %swap3A_536], %swap3A_539 {strides = array<i32>} : memref<256x64xf32, #tpu.memory_space<vmem>>, vector<1x16xf32>,
      %add3A_540 = arith.constant 48 : i32
      %add3A_541 = arith.addi %squeeze3A_502, %add3A_540 : i32
      %get3A_542 = arith.index_cast %add3A_506 : i32 to index
      %get3A_543 = arith.index_cast %add3A_541 : i32 to index
      %get3A_544 = tpu.vector_load %arg7[%get3A_542, %get3A_543] {strides = array<i32>} : memref<256x128xf32, #tpu.memory_space<vmem>>, vector<1x16xf32>,
      %get3A_545 = vector.shape_cast %get3A_544 : vector<1x16xf32> to vector<16xf32>
      %swap3A_546 = arith.index_cast %add3A_506 : i32 to index
      %swap3A_547 = arith.constant 48 : index
      %swap3A_548 = tpu.vector_load %arg8[%swap3A_546, %swap3A_547] {strides = array<i32>} : memref<256x64xf32, #tpu.memory_space<vmem>>, vector<1x16xf32>,
      %swap3A_549 = vector.shape_cast %swap3A_548 : vector<1x16xf32> to vector<16xf32>
      %swap3A_550 = vector.shape_cast %get3A_545 : vector<16xf32> to vector<1x16xf32>
      tpu.vector_store %arg8[%swap3A_546, %swap3A_547], %swap3A_550 {strides = array<i32>} : memref<256x64xf32, #tpu.memory_space<vmem>>, vector<1x16xf32>,
      %slice3A_551 = vector.extract_strided_slice %mul3A_53 {offsets = [10], sizes = [1], strides = [1]} : vector<16xi32> to vector<1xi32>
      %squeeze3A_552 = vector.extract %slice3A_551[0] : i32 from vector<1xi32>
      %mul3A_553 = arith.constant 16 : i32
      %mul3A_554 = arith.muli %scan3A_42, %mul3A_553 : i32
      %add3A_555 = arith.constant 10 : i32
      %add3A_556 = arith.addi %mul3A_554, %add3A_555 : i32
      %add3A_557 = arith.constant 0 : i32
      %add3A_558 = arith.addi %squeeze3A_552, %add3A_557 : i32
      %get3A_559 = arith.index_cast %add3A_556 : i32 to index
      %get3A_560 = arith.index_cast %add3A_558 : i32 to index
      %get3A_561 = tpu.vector_load %arg7[%get3A_559, %get3A_560] {strides = array<i32>} : memref<256x128xf32, #tpu.memory_space<vmem>>, vector<1x16xf32>,
      %get3A_562 = vector.shape_cast %get3A_561 : vector<1x16xf32> to vector<16xf32>
      %swap3A_563 = arith.index_cast %add3A_556 : i32 to index
      %swap3A_564 = arith.constant 0 : index
      %swap3A_565 = tpu.vector_load %arg8[%swap3A_563, %swap3A_564] {strides = array<i32>} : memref<256x64xf32, #tpu.memory_space<vmem>>, vector<1x16xf32>,
      %swap3A_566 = vector.shape_cast %swap3A_565 : vector<1x16xf32> to vector<16xf32>
      %swap3A_567 = vector.shape_cast %get3A_562 : vector<16xf32> to vector<1x16xf32>
      tpu.vector_store %arg8[%swap3A_563, %swap3A_564], %swap3A_567 {strides = array<i32>} : memref<256x64xf32, #tpu.memory_space<vmem>>, vector<1x16xf32>,
      %add3A_568 = arith.constant 16 : i32
      %add3A_569 = arith.addi %squeeze3A_552, %add3A_568 : i32
      %get3A_570 = arith.index_cast %add3A_556 : i32 to index
      %get3A_571 = arith.index_cast %add3A_569 : i32 to index
      %get3A_572 = tpu.vector_load %arg7[%get3A_570, %get3A_571] {strides = array<i32>} : memref<256x128xf32, #tpu.memory_space<vmem>>, vector<1x16xf32>,
      %get3A_573 = vector.shape_cast %get3A_572 : vector<1x16xf32> to vector<16xf32>
      %swap3A_574 = arith.index_cast %add3A_556 : i32 to index
      %swap3A_575 = arith.constant 16 : index
      %swap3A_576 = tpu.vector_load %arg8[%swap3A_574, %swap3A_575] {strides = array<i32>} : memref<256x64xf32, #tpu.memory_space<vmem>>, vector<1x16xf32>,
      %swap3A_577 = vector.shape_cast %swap3A_576 : vector<1x16xf32> to vector<16xf32>
      %swap3A_578 = vector.shape_cast %get3A_573 : vector<16xf32> to vector<1x16xf32>
      tpu.vector_store %arg8[%swap3A_574, %swap3A_575], %swap3A_578 {strides = array<i32>} : memref<256x64xf32, #tpu.memory_space<vmem>>, vector<1x16xf32>,
      %add3A_579 = arith.constant 32 : i32
      %add3A_580 = arith.addi %squeeze3A_552, %add3A_579 : i32
      %get3A_581 = arith.index_cast %add3A_556 : i32 to index
      %get3A_582 = arith.index_cast %add3A_580 : i32 to index
      %get3A_583 = tpu.vector_load %arg7[%get3A_581, %get3A_582] {strides = array<i32>} : memref<256x128xf32, #tpu.memory_space<vmem>>, vector<1x16xf32>,
      %get3A_584 = vector.shape_cast %get3A_583 : vector<1x16xf32> to vector<16xf32>
      %swap3A_585 = arith.index_cast %add3A_556 : i32 to index
      %swap3A_586 = arith.constant 32 : index
      %swap3A_587 = tpu.vector_load %arg8[%swap3A_585, %swap3A_586] {strides = array<i32>} : memref<256x64xf32, #tpu.memory_space<vmem>>, vector<1x16xf32>,
      %swap3A_588 = vector.shape_cast %swap3A_587 : vector<1x16xf32> to vector<16xf32>
      %swap3A_589 = vector.shape_cast %get3A_584 : vector<16xf32> to vector<1x16xf32>
      tpu.vector_store %arg8[%swap3A_585, %swap3A_586], %swap3A_589 {strides = array<i32>} : memref<256x64xf32, #tpu.memory_space<vmem>>, vector<1x16xf32>,
      %add3A_590 = arith.constant 48 : i32
      %add3A_591 = arith.addi %squeeze3A_552, %add3A_590 : i32
      %get3A_592 = arith.index_cast %add3A_556 : i32 to index
      %get3A_593 = arith.index_cast %add3A_591 : i32 to index
      %get3A_594 = tpu.vector_load %arg7[%get3A_592, %get3A_593] {strides = array<i32>} : memref<256x128xf32, #tpu.memory_space<vmem>>, vector<1x16xf32>,
      %get3A_595 = vector.shape_cast %get3A_594 : vector<1x16xf32> to vector<16xf32>
      %swap3A_596 = arith.index_cast %add3A_556 : i32 to index
      %swap3A_597 = arith.constant 48 : index
      %swap3A_598 = tpu.vector_load %arg8[%swap3A_596, %swap3A_597] {strides = array<i32>} : memref<256x64xf32, #tpu.memory_space<vmem>>, vector<1x16xf32>,
      %swap3A_599 = vector.shape_cast %swap3A_598 : vector<1x16xf32> to vector<16xf32>
      %swap3A_600 = vector.shape_cast %get3A_595 : vector<16xf32> to vector<1x16xf32>
      tpu.vector_store %arg8[%swap3A_596, %swap3A_597], %swap3A_600 {strides = array<i32>} : memref<256x64xf32, #tpu.memory_space<vmem>>, vector<1x16xf32>,
      %slice3A_601 = vector.extract_strided_slice %mul3A_53 {offsets = [11], sizes = [1], strides = [1]} : vector<16xi32> to vector<1xi32>
      %squeeze3A_602 = vector.extract %slice3A_601[0] : i32 from vector<1xi32>
      %mul3A_603 = arith.constant 16 : i32
      %mul3A_604 = arith.muli %scan3A_42, %mul3A_603 : i32
      %add3A_605 = arith.constant 11 : i32
      %add3A_606 = arith.addi %mul3A_604, %add3A_605 : i32
      %add3A_607 = arith.constant 0 : i32
      %add3A_608 = arith.addi %squeeze3A_602, %add3A_607 : i32
      %get3A_609 = arith.index_cast %add3A_606 : i32 to index
      %get3A_610 = arith.index_cast %add3A_608 : i32 to index
      %get3A_611 = tpu.vector_load %arg7[%get3A_609, %get3A_610] {strides = array<i32>} : memref<256x128xf32, #tpu.memory_space<vmem>>, vector<1x16xf32>,
      %get3A_612 = vector.shape_cast %get3A_611 : vector<1x16xf32> to vector<16xf32>
      %swap3A_613 = arith.index_cast %add3A_606 : i32 to index
      %swap3A_614 = arith.constant 0 : index
      %swap3A_615 = tpu.vector_load %arg8[%swap3A_613, %swap3A_614] {strides = array<i32>} : memref<256x64xf32, #tpu.memory_space<vmem>>, vector<1x16xf32>,
      %swap3A_616 = vector.shape_cast %swap3A_615 : vector<1x16xf32> to vector<16xf32>
      %swap3A_617 = vector.shape_cast %get3A_612 : vector<16xf32> to vector<1x16xf32>
      tpu.vector_store %arg8[%swap3A_613, %swap3A_614], %swap3A_617 {strides = array<i32>} : memref<256x64xf32, #tpu.memory_space<vmem>>, vector<1x16xf32>,
      %add3A_618 = arith.constant 16 : i32
      %add3A_619 = arith.addi %squeeze3A_602, %add3A_618 : i32
      %get3A_620 = arith.index_cast %add3A_606 : i32 to index
      %get3A_621 = arith.index_cast %add3A_619 : i32 to index
      %get3A_622 = tpu.vector_load %arg7[%get3A_620, %get3A_621] {strides = array<i32>} : memref<256x128xf32, #tpu.memory_space<vmem>>, vector<1x16xf32>,
      %get3A_623 = vector.shape_cast %get3A_622 : vector<1x16xf32> to vector<16xf32>
      %swap3A_624 = arith.index_cast %add3A_606 : i32 to index
      %swap3A_625 = arith.constant 16 : index
      %swap3A_626 = tpu.vector_load %arg8[%swap3A_624, %swap3A_625] {strides = array<i32>} : memref<256x64xf32, #tpu.memory_space<vmem>>, vector<1x16xf32>,
      %swap3A_627 = vector.shape_cast %swap3A_626 : vector<1x16xf32> to vector<16xf32>
      %swap3A_628 = vector.shape_cast %get3A_623 : vector<16xf32> to vector<1x16xf32>
      tpu.vector_store %arg8[%swap3A_624, %swap3A_625], %swap3A_628 {strides = array<i32>} : memref<256x64xf32, #tpu.memory_space<vmem>>, vector<1x16xf32>,
      %add3A_629 = arith.constant 32 : i32
      %add3A_630 = arith.addi %squeeze3A_602, %add3A_629 : i32
      %get3A_631 = arith.index_cast %add3A_606 : i32 to index
      %get3A_632 = arith.index_cast %add3A_630 : i32 to index
      %get3A_633 = tpu.vector_load %arg7[%get3A_631, %get3A_632] {strides = array<i32>} : memref<256x128xf32, #tpu.memory_space<vmem>>, vector<1x16xf32>,
      %get3A_634 = vector.shape_cast %get3A_633 : vector<1x16xf32> to vector<16xf32>
      %swap3A_635 = arith.index_cast %add3A_606 : i32 to index
      %swap3A_636 = arith.constant 32 : index
      %swap3A_637 = tpu.vector_load %arg8[%swap3A_635, %swap3A_636] {strides = array<i32>} : memref<256x64xf32, #tpu.memory_space<vmem>>, vector<1x16xf32>,
      %swap3A_638 = vector.shape_cast %swap3A_637 : vector<1x16xf32> to vector<16xf32>
      %swap3A_639 = vector.shape_cast %get3A_634 : vector<16xf32> to vector<1x16xf32>
      tpu.vector_store %arg8[%swap3A_635, %swap3A_636], %swap3A_639 {strides = array<i32>} : memref<256x64xf32, #tpu.memory_space<vmem>>, vector<1x16xf32>,
      %add3A_640 = arith.constant 48 : i32
      %add3A_641 = arith.addi %squeeze3A_602, %add3A_640 : i32
      %get3A_642 = arith.index_cast %add3A_606 : i32 to index
      %get3A_643 = arith.index_cast %add3A_641 : i32 to index
      %get3A_644 = tpu.vector_load %arg7[%get3A_642, %get3A_643] {strides = array<i32>} : memref<256x128xf32, #tpu.memory_space<vmem>>, vector<1x16xf32>,
      %get3A_645 = vector.shape_cast %get3A_644 : vector<1x16xf32> to vector<16xf32>
      %swap3A_646 = arith.index_cast %add3A_606 : i32 to index
      %swap3A_647 = arith.constant 48 : index
      %swap3A_648 = tpu.vector_load %arg8[%swap3A_646, %swap3A_647] {strides = array<i32>} : memref<256x64xf32, #tpu.memory_space<vmem>>, vector<1x16xf32>,
      %swap3A_649 = vector.shape_cast %swap3A_648 : vector<1x16xf32> to vector<16xf32>
      %swap3A_650 = vector.shape_cast %get3A_645 : vector<16xf32> to vector<1x16xf32>
      tpu.vector_store %arg8[%swap3A_646, %swap3A_647], %swap3A_650 {strides = array<i32>} : memref<256x64xf32, #tpu.memory_space<vmem>>, vector<1x16xf32>,
      %slice3A_651 = vector.extract_strided_slice %mul3A_53 {offsets = [12], sizes = [1], strides = [1]} : vector<16xi32> to vector<1xi32>
      %squeeze3A_652 = vector.extract %slice3A_651[0] : i32 from vector<1xi32>
      %mul3A_653 = arith.constant 16 : i32
      %mul3A_654 = arith.muli %scan3A_42, %mul3A_653 : i32
      %add3A_655 = arith.constant 12 : i32
      %add3A_656 = arith.addi %mul3A_654, %add3A_655 : i32
      %add3A_657 = arith.constant 0 : i32
      %add3A_658 = arith.addi %squeeze3A_652, %add3A_657 : i32
      %get3A_659 = arith.index_cast %add3A_656 : i32 to index
      %get3A_660 = arith.index_cast %add3A_658 : i32 to index
      %get3A_661 = tpu.vector_load %arg7[%get3A_659, %get3A_660] {strides = array<i32>} : memref<256x128xf32, #tpu.memory_space<vmem>>, vector<1x16xf32>,
      %get3A_662 = vector.shape_cast %get3A_661 : vector<1x16xf32> to vector<16xf32>
      %swap3A_663 = arith.index_cast %add3A_656 : i32 to index
      %swap3A_664 = arith.constant 0 : index
      %swap3A_665 = tpu.vector_load %arg8[%swap3A_663, %swap3A_664] {strides = array<i32>} : memref<256x64xf32, #tpu.memory_space<vmem>>, vector<1x16xf32>,
      %swap3A_666 = vector.shape_cast %swap3A_665 : vector<1x16xf32> to vector<16xf32>
      %swap3A_667 = vector.shape_cast %get3A_662 : vector<16xf32> to vector<1x16xf32>
      tpu.vector_store %arg8[%swap3A_663, %swap3A_664], %swap3A_667 {strides = array<i32>} : memref<256x64xf32, #tpu.memory_space<vmem>>, vector<1x16xf32>,
      %add3A_668 = arith.constant 16 : i32
      %add3A_669 = arith.addi %squeeze3A_652, %add3A_668 : i32
      %get3A_670 = arith.index_cast %add3A_656 : i32 to index
      %get3A_671 = arith.index_cast %add3A_669 : i32 to index
      %get3A_672 = tpu.vector_load %arg7[%get3A_670, %get3A_671] {strides = array<i32>} : memref<256x128xf32, #tpu.memory_space<vmem>>, vector<1x16xf32>,
      %get3A_673 = vector.shape_cast %get3A_672 : vector<1x16xf32> to vector<16xf32>
      %swap3A_674 = arith.index_cast %add3A_656 : i32 to index
      %swap3A_675 = arith.constant 16 : index
      %swap3A_676 = tpu.vector_load %arg8[%swap3A_674, %swap3A_675] {strides = array<i32>} : memref<256x64xf32, #tpu.memory_space<vmem>>, vector<1x16xf32>,
      %swap3A_677 = vector.shape_cast %swap3A_676 : vector<1x16xf32> to vector<16xf32>
      %swap3A_678 = vector.shape_cast %get3A_673 : vector<16xf32> to vector<1x16xf32>
      tpu.vector_store %arg8[%swap3A_674, %swap3A_675], %swap3A_678 {strides = array<i32>} : memref<256x64xf32, #tpu.memory_space<vmem>>, vector<1x16xf32>,
      %add3A_679 = arith.constant 32 : i32
      %add3A_680 = arith.addi %squeeze3A_652, %add3A_679 : i32
      %get3A_681 = arith.index_cast %add3A_656 : i32 to index
      %get3A_682 = arith.index_cast %add3A_680 : i32 to index
      %get3A_683 = tpu.vector_load %arg7[%get3A_681, %get3A_682] {strides = array<i32>} : memref<256x128xf32, #tpu.memory_space<vmem>>, vector<1x16xf32>,
      %get3A_684 = vector.shape_cast %get3A_683 : vector<1x16xf32> to vector<16xf32>
      %swap3A_685 = arith.index_cast %add3A_656 : i32 to index
      %swap3A_686 = arith.constant 32 : index
      %swap3A_687 = tpu.vector_load %arg8[%swap3A_685, %swap3A_686] {strides = array<i32>} : memref<256x64xf32, #tpu.memory_space<vmem>>, vector<1x16xf32>,
      %swap3A_688 = vector.shape_cast %swap3A_687 : vector<1x16xf32> to vector<16xf32>
      %swap3A_689 = vector.shape_cast %get3A_684 : vector<16xf32> to vector<1x16xf32>
      tpu.vector_store %arg8[%swap3A_685, %swap3A_686], %swap3A_689 {strides = array<i32>} : memref<256x64xf32, #tpu.memory_space<vmem>>, vector<1x16xf32>,
      %add3A_690 = arith.constant 48 : i32
      %add3A_691 = arith.addi %squeeze3A_652, %add3A_690 : i32
      %get3A_692 = arith.index_cast %add3A_656 : i32 to index
      %get3A_693 = arith.index_cast %add3A_691 : i32 to index
      %get3A_694 = tpu.vector_load %arg7[%get3A_692, %get3A_693] {strides = array<i32>} : memref<256x128xf32, #tpu.memory_space<vmem>>, vector<1x16xf32>,
      %get3A_695 = vector.shape_cast %get3A_694 : vector<1x16xf32> to vector<16xf32>
      %swap3A_696 = arith.index_cast %add3A_656 : i32 to index
      %swap3A_697 = arith.constant 48 : index
      %swap3A_698 = tpu.vector_load %arg8[%swap3A_696, %swap3A_697] {strides = array<i32>} : memref<256x64xf32, #tpu.memory_space<vmem>>, vector<1x16xf32>,
      %swap3A_699 = vector.shape_cast %swap3A_698 : vector<1x16xf32> to vector<16xf32>
      %swap3A_700 = vector.shape_cast %get3A_695 : vector<16xf32> to vector<1x16xf32>
      tpu.vector_store %arg8[%swap3A_696, %swap3A_697], %swap3A_700 {strides = array<i32>} : memref<256x64xf32, #tpu.memory_space<vmem>>, vector<1x16xf32>,
      %slice3A_701 = vector.extract_strided_slice %mul3A_53 {offsets = [13], sizes = [1], strides = [1]} : vector<16xi32> to vector<1xi32>
      %squeeze3A_702 = vector.extract %slice3A_701[0] : i32 from vector<1xi32>
      %mul3A_703 = arith.constant 16 : i32
      %mul3A_704 = arith.muli %scan3A_42, %mul3A_703 : i32
      %add3A_705 = arith.constant 13 : i32
      %add3A_706 = arith.addi %mul3A_704, %add3A_705 : i32
      %add3A_707 = arith.constant 0 : i32
      %add3A_708 = arith.addi %squeeze3A_702, %add3A_707 : i32
      %get3A_709 = arith.index_cast %add3A_706 : i32 to index
      %get3A_710 = arith.index_cast %add3A_708 : i32 to index
      %get3A_711 = tpu.vector_load %arg7[%get3A_709, %get3A_710] {strides = array<i32>} : memref<256x128xf32, #tpu.memory_space<vmem>>, vector<1x16xf32>,
      %get3A_712 = vector.shape_cast %get3A_711 : vector<1x16xf32> to vector<16xf32>
      %swap3A_713 = arith.index_cast %add3A_706 : i32 to index
      %swap3A_714 = arith.constant 0 : index
      %swap3A_715 = tpu.vector_load %arg8[%swap3A_713, %swap3A_714] {strides = array<i32>} : memref<256x64xf32, #tpu.memory_space<vmem>>, vector<1x16xf32>,
      %swap3A_716 = vector.shape_cast %swap3A_715 : vector<1x16xf32> to vector<16xf32>
      %swap3A_717 = vector.shape_cast %get3A_712 : vector<16xf32> to vector<1x16xf32>
      tpu.vector_store %arg8[%swap3A_713, %swap3A_714], %swap3A_717 {strides = array<i32>} : memref<256x64xf32, #tpu.memory_space<vmem>>, vector<1x16xf32>,
      %add3A_718 = arith.constant 16 : i32
      %add3A_719 = arith.addi %squeeze3A_702, %add3A_718 : i32
      %get3A_720 = arith.index_cast %add3A_706 : i32 to index
      %get3A_721 = arith.index_cast %add3A_719 : i32 to index
      %get3A_722 = tpu.vector_load %arg7[%get3A_720, %get3A_721] {strides = array<i32>} : memref<256x128xf32, #tpu.memory_space<vmem>>, vector<1x16xf32>,
      %get3A_723 = vector.shape_cast %get3A_722 : vector<1x16xf32> to vector<16xf32>
      %swap3A_724 = arith.index_cast %add3A_706 : i32 to index
      %swap3A_725 = arith.constant 16 : index
      %swap3A_726 = tpu.vector_load %arg8[%swap3A_724, %swap3A_725] {strides = array<i32>} : memref<256x64xf32, #tpu.memory_space<vmem>>, vector<1x16xf32>,
      %swap3A_727 = vector.shape_cast %swap3A_726 : vector<1x16xf32> to vector<16xf32>
      %swap3A_728 = vector.shape_cast %get3A_723 : vector<16xf32> to vector<1x16xf32>
      tpu.vector_store %arg8[%swap3A_724, %swap3A_725], %swap3A_728 {strides = array<i32>} : memref<256x64xf32, #tpu.memory_space<vmem>>, vector<1x16xf32>,
      %add3A_729 = arith.constant 32 : i32
      %add3A_730 = arith.addi %squeeze3A_702, %add3A_729 : i32
      %get3A_731 = arith.index_cast %add3A_706 : i32 to index
      %get3A_732 = arith.index_cast %add3A_730 : i32 to index
      %get3A_733 = tpu.vector_load %arg7[%get3A_731, %get3A_732] {strides = array<i32>} : memref<256x128xf32, #tpu.memory_space<vmem>>, vector<1x16xf32>,
      %get3A_734 = vector.shape_cast %get3A_733 : vector<1x16xf32> to vector<16xf32>
      %swap3A_735 = arith.index_cast %add3A_706 : i32 to index
      %swap3A_736 = arith.constant 32 : index
      %swap3A_737 = tpu.vector_load %arg8[%swap3A_735, %swap3A_736] {strides = array<i32>} : memref<256x64xf32, #tpu.memory_space<vmem>>, vector<1x16xf32>,
      %swap3A_738 = vector.shape_cast %swap3A_737 : vector<1x16xf32> to vector<16xf32>
      %swap3A_739 = vector.shape_cast %get3A_734 : vector<16xf32> to vector<1x16xf32>
      tpu.vector_store %arg8[%swap3A_735, %swap3A_736], %swap3A_739 {strides = array<i32>} : memref<256x64xf32, #tpu.memory_space<vmem>>, vector<1x16xf32>,
      %add3A_740 = arith.constant 48 : i32
      %add3A_741 = arith.addi %squeeze3A_702, %add3A_740 : i32
      %get3A_742 = arith.index_cast %add3A_706 : i32 to index
      %get3A_743 = arith.index_cast %add3A_741 : i32 to index
      %get3A_744 = tpu.vector_load %arg7[%get3A_742, %get3A_743] {strides = array<i32>} : memref<256x128xf32, #tpu.memory_space<vmem>>, vector<1x16xf32>,
      %get3A_745 = vector.shape_cast %get3A_744 : vector<1x16xf32> to vector<16xf32>
      %swap3A_746 = arith.index_cast %add3A_706 : i32 to index
      %swap3A_747 = arith.constant 48 : index
      %swap3A_748 = tpu.vector_load %arg8[%swap3A_746, %swap3A_747] {strides = array<i32>} : memref<256x64xf32, #tpu.memory_space<vmem>>, vector<1x16xf32>,
      %swap3A_749 = vector.shape_cast %swap3A_748 : vector<1x16xf32> to vector<16xf32>
      %swap3A_750 = vector.shape_cast %get3A_745 : vector<16xf32> to vector<1x16xf32>
      tpu.vector_store %arg8[%swap3A_746, %swap3A_747], %swap3A_750 {strides = array<i32>} : memref<256x64xf32, #tpu.memory_space<vmem>>, vector<1x16xf32>,
      %slice3A_751 = vector.extract_strided_slice %mul3A_53 {offsets = [14], sizes = [1], strides = [1]} : vector<16xi32> to vector<1xi32>
      %squeeze3A_752 = vector.extract %slice3A_751[0] : i32 from vector<1xi32>
      %mul3A_753 = arith.constant 16 : i32
      %mul3A_754 = arith.muli %scan3A_42, %mul3A_753 : i32
      %add3A_755 = arith.constant 14 : i32
      %add3A_756 = arith.addi %mul3A_754, %add3A_755 : i32
      %add3A_757 = arith.constant 0 : i32
      %add3A_758 = arith.addi %squeeze3A_752, %add3A_757 : i32
      %get3A_759 = arith.index_cast %add3A_756 : i32 to index
      %get3A_760 = arith.index_cast %add3A_758 : i32 to index
      %get3A_761 = tpu.vector_load %arg7[%get3A_759, %get3A_760] {strides = array<i32>} : memref<256x128xf32, #tpu.memory_space<vmem>>, vector<1x16xf32>,
      %get3A_762 = vector.shape_cast %get3A_761 : vector<1x16xf32> to vector<16xf32>
      %swap3A_763 = arith.index_cast %add3A_756 : i32 to index
      %swap3A_764 = arith.constant 0 : index
      %swap3A_765 = tpu.vector_load %arg8[%swap3A_763, %swap3A_764] {strides = array<i32>} : memref<256x64xf32, #tpu.memory_space<vmem>>, vector<1x16xf32>,
      %swap3A_766 = vector.shape_cast %swap3A_765 : vector<1x16xf32> to vector<16xf32>
      %swap3A_767 = vector.shape_cast %get3A_762 : vector<16xf32> to vector<1x16xf32>
      tpu.vector_store %arg8[%swap3A_763, %swap3A_764], %swap3A_767 {strides = array<i32>} : memref<256x64xf32, #tpu.memory_space<vmem>>, vector<1x16xf32>,
      %add3A_768 = arith.constant 16 : i32
      %add3A_769 = arith.addi %squeeze3A_752, %add3A_768 : i32
      %get3A_770 = arith.index_cast %add3A_756 : i32 to index
      %get3A_771 = arith.index_cast %add3A_769 : i32 to index
      %get3A_772 = tpu.vector_load %arg7[%get3A_770, %get3A_771] {strides = array<i32>} : memref<256x128xf32, #tpu.memory_space<vmem>>, vector<1x16xf32>,
      %get3A_773 = vector.shape_cast %get3A_772 : vector<1x16xf32> to vector<16xf32>
      %swap3A_774 = arith.index_cast %add3A_756 : i32 to index
      %swap3A_775 = arith.constant 16 : index
      %swap3A_776 = tpu.vector_load %arg8[%swap3A_774, %swap3A_775] {strides = array<i32>} : memref<256x64xf32, #tpu.memory_space<vmem>>, vector<1x16xf32>,
      %swap3A_777 = vector.shape_cast %swap3A_776 : vector<1x16xf32> to vector<16xf32>
      %swap3A_778 = vector.shape_cast %get3A_773 : vector<16xf32> to vector<1x16xf32>
      tpu.vector_store %arg8[%swap3A_774, %swap3A_775], %swap3A_778 {strides = array<i32>} : memref<256x64xf32, #tpu.memory_space<vmem>>, vector<1x16xf32>,
      %add3A_779 = arith.constant 32 : i32
      %add3A_780 = arith.addi %squeeze3A_752, %add3A_779 : i32
      %get3A_781 = arith.index_cast %add3A_756 : i32 to index
      %get3A_782 = arith.index_cast %add3A_780 : i32 to index
      %get3A_783 = tpu.vector_load %arg7[%get3A_781, %get3A_782] {strides = array<i32>} : memref<256x128xf32, #tpu.memory_space<vmem>>, vector<1x16xf32>,
      %get3A_784 = vector.shape_cast %get3A_783 : vector<1x16xf32> to vector<16xf32>
      %swap3A_785 = arith.index_cast %add3A_756 : i32 to index
      %swap3A_786 = arith.constant 32 : index
      %swap3A_787 = tpu.vector_load %arg8[%swap3A_785, %swap3A_786] {strides = array<i32>} : memref<256x64xf32, #tpu.memory_space<vmem>>, vector<1x16xf32>,
      %swap3A_788 = vector.shape_cast %swap3A_787 : vector<1x16xf32> to vector<16xf32>
      %swap3A_789 = vector.shape_cast %get3A_784 : vector<16xf32> to vector<1x16xf32>
      tpu.vector_store %arg8[%swap3A_785, %swap3A_786], %swap3A_789 {strides = array<i32>} : memref<256x64xf32, #tpu.memory_space<vmem>>, vector<1x16xf32>,
      %add3A_790 = arith.constant 48 : i32
      %add3A_791 = arith.addi %squeeze3A_752, %add3A_790 : i32
      %get3A_792 = arith.index_cast %add3A_756 : i32 to index
      %get3A_793 = arith.index_cast %add3A_791 : i32 to index
      %get3A_794 = tpu.vector_load %arg7[%get3A_792, %get3A_793] {strides = array<i32>} : memref<256x128xf32, #tpu.memory_space<vmem>>, vector<1x16xf32>,
      %get3A_795 = vector.shape_cast %get3A_794 : vector<1x16xf32> to vector<16xf32>
      %swap3A_796 = arith.index_cast %add3A_756 : i32 to index
      %swap3A_797 = arith.constant 48 : index
      %swap3A_798 = tpu.vector_load %arg8[%swap3A_796, %swap3A_797] {strides = array<i32>} : memref<256x64xf32, #tpu.memory_space<vmem>>, vector<1x16xf32>,
      %swap3A_799 = vector.shape_cast %swap3A_798 : vector<1x16xf32> to vector<16xf32>
      %swap3A_800 = vector.shape_cast %get3A_795 : vector<16xf32> to vector<1x16xf32>
      tpu.vector_store %arg8[%swap3A_796, %swap3A_797], %swap3A_800 {strides = array<i32>} : memref<256x64xf32, #tpu.memory_space<vmem>>, vector<1x16xf32>,
      %slice3A_801 = vector.extract_strided_slice %mul3A_53 {offsets = [15], sizes = [1], strides = [1]} : vector<16xi32> to vector<1xi32>
      %squeeze3A_802 = vector.extract %slice3A_801[0] : i32 from vector<1xi32>
      %mul3A_803 = arith.constant 16 : i32
      %mul3A_804 = arith.muli %scan3A_42, %mul3A_803 : i32
      %add3A_805 = arith.constant 15 : i32
      %add3A_806 = arith.addi %mul3A_804, %add3A_805 : i32
      %add3A_807 = arith.constant 0 : i32
      %add3A_808 = arith.addi %squeeze3A_802, %add3A_807 : i32
      %get3A_809 = arith.index_cast %add3A_806 : i32 to index
      %get3A_810 = arith.index_cast %add3A_808 : i32 to index
      %get3A_811 = tpu.vector_load %arg7[%get3A_809, %get3A_810] {strides = array<i32>} : memref<256x128xf32, #tpu.memory_space<vmem>>, vector<1x16xf32>,
      %get3A_812 = vector.shape_cast %get3A_811 : vector<1x16xf32> to vector<16xf32>
      %swap3A_813 = arith.index_cast %add3A_806 : i32 to index
      %swap3A_814 = arith.constant 0 : index
      %swap3A_815 = tpu.vector_load %arg8[%swap3A_813, %swap3A_814] {strides = array<i32>} : memref<256x64xf32, #tpu.memory_space<vmem>>, vector<1x16xf32>,
      %swap3A_816 = vector.shape_cast %swap3A_815 : vector<1x16xf32> to vector<16xf32>
      %swap3A_817 = vector.shape_cast %get3A_812 : vector<16xf32> to vector<1x16xf32>
      tpu.vector_store %arg8[%swap3A_813, %swap3A_814], %swap3A_817 {strides = array<i32>} : memref<256x64xf32, #tpu.memory_space<vmem>>, vector<1x16xf32>,
      %add3A_818 = arith.constant 16 : i32
      %add3A_819 = arith.addi %squeeze3A_802, %add3A_818 : i32
      %get3A_820 = arith.index_cast %add3A_806 : i32 to index
      %get3A_821 = arith.index_cast %add3A_819 : i32 to index
      %get3A_822 = tpu.vector_load %arg7[%get3A_820, %get3A_821] {strides = array<i32>} : memref<256x128xf32, #tpu.memory_space<vmem>>, vector<1x16xf32>,
      %get3A_823 = vector.shape_cast %get3A_822 : vector<1x16xf32> to vector<16xf32>
      %swap3A_824 = arith.index_cast %add3A_806 : i32 to index
      %swap3A_825 = arith.constant 16 : index
      %swap3A_826 = tpu.vector_load %arg8[%swap3A_824, %swap3A_825] {strides = array<i32>} : memref<256x64xf32, #tpu.memory_space<vmem>>, vector<1x16xf32>,
      %swap3A_827 = vector.shape_cast %swap3A_826 : vector<1x16xf32> to vector<16xf32>
      %swap3A_828 = vector.shape_cast %get3A_823 : vector<16xf32> to vector<1x16xf32>
      tpu.vector_store %arg8[%swap3A_824, %swap3A_825], %swap3A_828 {strides = array<i32>} : memref<256x64xf32, #tpu.memory_space<vmem>>, vector<1x16xf32>,
      %add3A_829 = arith.constant 32 : i32
      %add3A_830 = arith.addi %squeeze3A_802, %add3A_829 : i32
      %get3A_831 = arith.index_cast %add3A_806 : i32 to index
      %get3A_832 = arith.index_cast %add3A_830 : i32 to index
      %get3A_833 = tpu.vector_load %arg7[%get3A_831, %get3A_832] {strides = array<i32>} : memref<256x128xf32, #tpu.memory_space<vmem>>, vector<1x16xf32>,
      %get3A_834 = vector.shape_cast %get3A_833 : vector<1x16xf32> to vector<16xf32>
      %swap3A_835 = arith.index_cast %add3A_806 : i32 to index
      %swap3A_836 = arith.constant 32 : index
      %swap3A_837 = tpu.vector_load %arg8[%swap3A_835, %swap3A_836] {strides = array<i32>} : memref<256x64xf32, #tpu.memory_space<vmem>>, vector<1x16xf32>,
      %swap3A_838 = vector.shape_cast %swap3A_837 : vector<1x16xf32> to vector<16xf32>
      %swap3A_839 = vector.shape_cast %get3A_834 : vector<16xf32> to vector<1x16xf32>
      tpu.vector_store %arg8[%swap3A_835, %swap3A_836], %swap3A_839 {strides = array<i32>} : memref<256x64xf32, #tpu.memory_space<vmem>>, vector<1x16xf32>,
      %add3A_840 = arith.constant 48 : i32
      %add3A_841 = arith.addi %squeeze3A_802, %add3A_840 : i32
      %get3A_842 = arith.index_cast %add3A_806 : i32 to index
      %get3A_843 = arith.index_cast %add3A_841 : i32 to index
      %get3A_844 = tpu.vector_load %arg7[%get3A_842, %get3A_843] {strides = array<i32>} : memref<256x128xf32, #tpu.memory_space<vmem>>, vector<1x16xf32>,
      %get3A_845 = vector.shape_cast %get3A_844 : vector<1x16xf32> to vector<16xf32>
      %swap3A_846 = arith.index_cast %add3A_806 : i32 to index
      %swap3A_847 = arith.constant 48 : index
      %swap3A_848 = tpu.vector_load %arg8[%swap3A_846, %swap3A_847] {strides = array<i32>} : memref<256x64xf32, #tpu.memory_space<vmem>>, vector<1x16xf32>,
      %swap3A_849 = vector.shape_cast %swap3A_848 : vector<1x16xf32> to vector<16xf32>
      %swap3A_850 = vector.shape_cast %get3A_845 : vector<16xf32> to vector<1x16xf32>
      tpu.vector_store %arg8[%swap3A_846, %swap3A_847], %swap3A_850 {strides = array<i32>} : memref<256x64xf32, #tpu.memory_space<vmem>>, vector<1x16xf32>,
    }
    %scan3A_21 = arith.constant 16 : i32
    %add3A_22 = arith.constant 0 : i32
    %add3A_23 = arith.addi %mul3A_2, %add3A_22 : i32
    "tpu.region"() ({
      %run_scoped3A = tpu.sem_alloc : memref<!tpu.dma_semaphore, #tpu.memory_space<semaphore_mem>>
      %dma_start3A_42 = arith.constant 0 : i32
      %dma_start3A_43 = tpu.memref_slice %arg4[%add3A_23, %dma_start3A_42] : memref<16384x64xf32, #tpu.memory_space<hbm>> -> memref<256x64xf32, #tpu.memory_space<hbm>>
      %dma_start3A_44 = arith.constant 0 : i32
      %dma_start3A_45 = tpu.memref_slice %arg4[%add3A_23, %dma_start3A_44] : memref<16384x64xf32, #tpu.memory_space<hbm>> -> memref<256x64xf32, #tpu.memory_space<hbm>>
      tpu.enqueue_dma source(%arg8 : memref<256x64xf32, #tpu.memory_space<vmem>>) target(%dma_start3A_45 : memref<256x64xf32, #tpu.memory_space<hbm>>) target_semaphore(%run_scoped3A : memref<!tpu.dma_semaphore, #tpu.memory_space<semaphore_mem>>)
      %dma_wait3A_46 = arith.constant 0 : i32
      %dma_wait3A_47 = tpu.memref_slice %arg4[%add3A_23, %dma_wait3A_46] : memref<16384x64xf32, #tpu.memory_space<hbm>> -> memref<256x64xf32, #tpu.memory_space<hbm>>
      %dma_wait3A_48 = arith.constant 0 : i32
      %dma_wait3A_49 = tpu.memref_slice %arg4[%add3A_23, %dma_wait3A_48] : memref<16384x64xf32, #tpu.memory_space<hbm>> -> memref<256x64xf32, #tpu.memory_space<hbm>>
      tpu.wait_dma2 semaphore(%run_scoped3A : memref<!tpu.dma_semaphore, #tpu.memory_space<semaphore_mem>>) src(%arg8 : memref<256x64xf32, #tpu.memory_space<vmem>>) dst(%dma_wait3A_49 : memref<256x64xf32, #tpu.memory_space<hbm>>)
      tpu.yield
    }) : () -> ()
    %dma_start3A_24 = arith.constant 256 : i32
    %dma_start3A_25 = tpu.memref_slice %arg6[%dma_start3A_24] : memref<512xi32, #tpu.memory_space<vmem>> -> memref<256xi32, #tpu.memory_space<vmem>>
    %dma_start3A_26 = arith.constant 0 : i32
    %dma_start3A_27 = arith.constant 0 : i32
    %dma_start3A_28 = tpu.memref_slice %arg3[%dma_start3A_26, %dma_start3A_27] : memref<500000x128xf32, #tpu.memory_space<hbm>> -> memref<500000x128xf32, #tpu.memory_space<hbm>>
    tpu.enqueue_indirect_dma source(%dma_start3A_28 : memref<500000x128xf32, #tpu.memory_space<hbm>>) target(%arg7 : memref<256x128xf32, #tpu.memory_space<vmem>>) offsets(%dma_start3A_25 : memref<256xi32, #tpu.memory_space<vmem>>) semaphore(%arg9 : memref<!tpu.dma_semaphore, #tpu.memory_space<semaphore_mem>>)
    %dma_wait3A_29 = arith.constant 256 : i32
    %dma_wait3A_30 = tpu.memref_slice %arg6[%dma_wait3A_29] : memref<512xi32, #tpu.memory_space<vmem>> -> memref<256xi32, #tpu.memory_space<vmem>>
    %dma_wait3A_31 = arith.constant 0 : i32
    %dma_wait3A_32 = arith.constant 0 : i32
    %dma_wait3A_33 = tpu.memref_slice %arg3[%dma_wait3A_31, %dma_wait3A_32] : memref<500000x128xf32, #tpu.memory_space<hbm>> -> memref<500000x128xf32, #tpu.memory_space<hbm>>
    tpu.wait_indirect_dma semaphore(%arg9 : memref<!tpu.dma_semaphore, #tpu.memory_space<semaphore_mem>>) src(%dma_wait3A_33 : memref<500000x128xf32, #tpu.memory_space<hbm>>) dst(%arg7 : memref<256x128xf32, #tpu.memory_space<vmem>>)
    %scan3A_34 = arith.constant 0 : i32
    %scan3A_35 = arith.constant 0 : i32
    %scan3A_36 = arith.constant 16 : i32
    %scan3A_37 = arith.addi %scan3A_35, %scan3A_36 : i32
    %scan3A_38 = arith.constant 1 : i32
    scf.for %scan3A_42 = %scan3A_35 to %scan3A_37 step %scan3A_38  : i32 {
      %mul3A_43 = arith.constant 16 : i32
      %mul3A_44 = arith.muli %scan3A_42, %mul3A_43 : i32
      %add3A_45 = arith.constant 256 : i32
      %add3A_46 = arith.addi %add3A_45, %mul3A_44 : i32
      %get3A = arith.index_cast %add3A_46 : i32 to index
      %get3A_47 = tpu.vector_load %arg5[%get3A] {strides = array<i32>} : memref<512xi32, #tpu.memory_space<vmem>>, vector<16xi32>,
      %get3A_48 = vector.shape_cast %get3A_47 : vector<16xi32> to vector<16xi32>
      %and3A = arith.constant 1 : i32
      %and3A_49 = vector.broadcast %and3A : i32 to vector<16xi32>
      %and3A_50 = arith.andi %get3A_48, %and3A_49 : vector<16xi32>
      %mul3A_51 = arith.constant 64 : i32
      %mul3A_52 = vector.broadcast %mul3A_51 : i32 to vector<16xi32>
      %mul3A_53 = arith.muli %and3A_50, %mul3A_52 : vector<16xi32>
      %slice3A = vector.extract_strided_slice %mul3A_53 {offsets = [0], sizes = [1], strides = [1]} : vector<16xi32> to vector<1xi32>
      %squeeze3A = vector.extract %slice3A[0] : i32 from vector<1xi32>
      %mul3A_54 = arith.constant 16 : i32
      %mul3A_55 = arith.muli %scan3A_42, %mul3A_54 : i32
      %add3A_56 = arith.constant 0 : i32
      %add3A_57 = arith.addi %mul3A_55, %add3A_56 : i32
      %add3A_58 = arith.constant 0 : i32
      %add3A_59 = arith.addi %squeeze3A, %add3A_58 : i32
      %get3A_60 = arith.index_cast %add3A_57 : i32 to index
      %get3A_61 = arith.index_cast %add3A_59 : i32 to index
      %get3A_62 = tpu.vector_load %arg7[%get3A_60, %get3A_61] {strides = array<i32>} : memref<256x128xf32, #tpu.memory_space<vmem>>, vector<1x16xf32>,
      %get3A_63 = vector.shape_cast %get3A_62 : vector<1x16xf32> to vector<16xf32>
      %swap3A = arith.index_cast %add3A_57 : i32 to index
      %swap3A_64 = arith.constant 0 : index
      %swap3A_65 = tpu.vector_load %arg8[%swap3A, %swap3A_64] {strides = array<i32>} : memref<256x64xf32, #tpu.memory_space<vmem>>, vector<1x16xf32>,
      %swap3A_66 = vector.shape_cast %swap3A_65 : vector<1x16xf32> to vector<16xf32>
      %swap3A_67 = vector.shape_cast %get3A_63 : vector<16xf32> to vector<1x16xf32>
      tpu.vector_store %arg8[%swap3A, %swap3A_64], %swap3A_67 {strides = array<i32>} : memref<256x64xf32, #tpu.memory_space<vmem>>, vector<1x16xf32>,
      %add3A_68 = arith.constant 16 : i32
      %add3A_69 = arith.addi %squeeze3A, %add3A_68 : i32
      %get3A_70 = arith.index_cast %add3A_57 : i32 to index
      %get3A_71 = arith.index_cast %add3A_69 : i32 to index
      %get3A_72 = tpu.vector_load %arg7[%get3A_70, %get3A_71] {strides = array<i32>} : memref<256x128xf32, #tpu.memory_space<vmem>>, vector<1x16xf32>,
      %get3A_73 = vector.shape_cast %get3A_72 : vector<1x16xf32> to vector<16xf32>
      %swap3A_74 = arith.index_cast %add3A_57 : i32 to index
      %swap3A_75 = arith.constant 16 : index
      %swap3A_76 = tpu.vector_load %arg8[%swap3A_74, %swap3A_75] {strides = array<i32>} : memref<256x64xf32, #tpu.memory_space<vmem>>, vector<1x16xf32>,
      %swap3A_77 = vector.shape_cast %swap3A_76 : vector<1x16xf32> to vector<16xf32>
      %swap3A_78 = vector.shape_cast %get3A_73 : vector<16xf32> to vector<1x16xf32>
      tpu.vector_store %arg8[%swap3A_74, %swap3A_75], %swap3A_78 {strides = array<i32>} : memref<256x64xf32, #tpu.memory_space<vmem>>, vector<1x16xf32>,
      %add3A_79 = arith.constant 32 : i32
      %add3A_80 = arith.addi %squeeze3A, %add3A_79 : i32
      %get3A_81 = arith.index_cast %add3A_57 : i32 to index
      %get3A_82 = arith.index_cast %add3A_80 : i32 to index
      %get3A_83 = tpu.vector_load %arg7[%get3A_81, %get3A_82] {strides = array<i32>} : memref<256x128xf32, #tpu.memory_space<vmem>>, vector<1x16xf32>,
      %get3A_84 = vector.shape_cast %get3A_83 : vector<1x16xf32> to vector<16xf32>
      %swap3A_85 = arith.index_cast %add3A_57 : i32 to index
      %swap3A_86 = arith.constant 32 : index
      %swap3A_87 = tpu.vector_load %arg8[%swap3A_85, %swap3A_86] {strides = array<i32>} : memref<256x64xf32, #tpu.memory_space<vmem>>, vector<1x16xf32>,
      %swap3A_88 = vector.shape_cast %swap3A_87 : vector<1x16xf32> to vector<16xf32>
      %swap3A_89 = vector.shape_cast %get3A_84 : vector<16xf32> to vector<1x16xf32>
      tpu.vector_store %arg8[%swap3A_85, %swap3A_86], %swap3A_89 {strides = array<i32>} : memref<256x64xf32, #tpu.memory_space<vmem>>, vector<1x16xf32>,
      %add3A_90 = arith.constant 48 : i32
      %add3A_91 = arith.addi %squeeze3A, %add3A_90 : i32
      %get3A_92 = arith.index_cast %add3A_57 : i32 to index
      %get3A_93 = arith.index_cast %add3A_91 : i32 to index
      %get3A_94 = tpu.vector_load %arg7[%get3A_92, %get3A_93] {strides = array<i32>} : memref<256x128xf32, #tpu.memory_space<vmem>>, vector<1x16xf32>,
      %get3A_95 = vector.shape_cast %get3A_94 : vector<1x16xf32> to vector<16xf32>
      %swap3A_96 = arith.index_cast %add3A_57 : i32 to index
      %swap3A_97 = arith.constant 48 : index
      %swap3A_98 = tpu.vector_load %arg8[%swap3A_96, %swap3A_97] {strides = array<i32>} : memref<256x64xf32, #tpu.memory_space<vmem>>, vector<1x16xf32>,
      %swap3A_99 = vector.shape_cast %swap3A_98 : vector<1x16xf32> to vector<16xf32>
      %swap3A_100 = vector.shape_cast %get3A_95 : vector<16xf32> to vector<1x16xf32>
      tpu.vector_store %arg8[%swap3A_96, %swap3A_97], %swap3A_100 {strides = array<i32>} : memref<256x64xf32, #tpu.memory_space<vmem>>, vector<1x16xf32>,
      %slice3A_101 = vector.extract_strided_slice %mul3A_53 {offsets = [1], sizes = [1], strides = [1]} : vector<16xi32> to vector<1xi32>
      %squeeze3A_102 = vector.extract %slice3A_101[0] : i32 from vector<1xi32>
      %mul3A_103 = arith.constant 16 : i32
      %mul3A_104 = arith.muli %scan3A_42, %mul3A_103 : i32
      %add3A_105 = arith.constant 1 : i32
      %add3A_106 = arith.addi %mul3A_104, %add3A_105 : i32
      %add3A_107 = arith.constant 0 : i32
      %add3A_108 = arith.addi %squeeze3A_102, %add3A_107 : i32
      %get3A_109 = arith.index_cast %add3A_106 : i32 to index
      %get3A_110 = arith.index_cast %add3A_108 : i32 to index
      %get3A_111 = tpu.vector_load %arg7[%get3A_109, %get3A_110] {strides = array<i32>} : memref<256x128xf32, #tpu.memory_space<vmem>>, vector<1x16xf32>,
      %get3A_112 = vector.shape_cast %get3A_111 : vector<1x16xf32> to vector<16xf32>
      %swap3A_113 = arith.index_cast %add3A_106 : i32 to index
      %swap3A_114 = arith.constant 0 : index
      %swap3A_115 = tpu.vector_load %arg8[%swap3A_113, %swap3A_114] {strides = array<i32>} : memref<256x64xf32, #tpu.memory_space<vmem>>, vector<1x16xf32>,
      %swap3A_116 = vector.shape_cast %swap3A_115 : vector<1x16xf32> to vector<16xf32>
      %swap3A_117 = vector.shape_cast %get3A_112 : vector<16xf32> to vector<1x16xf32>
      tpu.vector_store %arg8[%swap3A_113, %swap3A_114], %swap3A_117 {strides = array<i32>} : memref<256x64xf32, #tpu.memory_space<vmem>>, vector<1x16xf32>,
      %add3A_118 = arith.constant 16 : i32
      %add3A_119 = arith.addi %squeeze3A_102, %add3A_118 : i32
      %get3A_120 = arith.index_cast %add3A_106 : i32 to index
      %get3A_121 = arith.index_cast %add3A_119 : i32 to index
      %get3A_122 = tpu.vector_load %arg7[%get3A_120, %get3A_121] {strides = array<i32>} : memref<256x128xf32, #tpu.memory_space<vmem>>, vector<1x16xf32>,
      %get3A_123 = vector.shape_cast %get3A_122 : vector<1x16xf32> to vector<16xf32>
      %swap3A_124 = arith.index_cast %add3A_106 : i32 to index
      %swap3A_125 = arith.constant 16 : index
      %swap3A_126 = tpu.vector_load %arg8[%swap3A_124, %swap3A_125] {strides = array<i32>} : memref<256x64xf32, #tpu.memory_space<vmem>>, vector<1x16xf32>,
      %swap3A_127 = vector.shape_cast %swap3A_126 : vector<1x16xf32> to vector<16xf32>
      %swap3A_128 = vector.shape_cast %get3A_123 : vector<16xf32> to vector<1x16xf32>
      tpu.vector_store %arg8[%swap3A_124, %swap3A_125], %swap3A_128 {strides = array<i32>} : memref<256x64xf32, #tpu.memory_space<vmem>>, vector<1x16xf32>,
      %add3A_129 = arith.constant 32 : i32
      %add3A_130 = arith.addi %squeeze3A_102, %add3A_129 : i32
      %get3A_131 = arith.index_cast %add3A_106 : i32 to index
      %get3A_132 = arith.index_cast %add3A_130 : i32 to index
      %get3A_133 = tpu.vector_load %arg7[%get3A_131, %get3A_132] {strides = array<i32>} : memref<256x128xf32, #tpu.memory_space<vmem>>, vector<1x16xf32>,
      %get3A_134 = vector.shape_cast %get3A_133 : vector<1x16xf32> to vector<16xf32>
      %swap3A_135 = arith.index_cast %add3A_106 : i32 to index
      %swap3A_136 = arith.constant 32 : index
      %swap3A_137 = tpu.vector_load %arg8[%swap3A_135, %swap3A_136] {strides = array<i32>} : memref<256x64xf32, #tpu.memory_space<vmem>>, vector<1x16xf32>,
      %swap3A_138 = vector.shape_cast %swap3A_137 : vector<1x16xf32> to vector<16xf32>
      %swap3A_139 = vector.shape_cast %get3A_134 : vector<16xf32> to vector<1x16xf32>
      tpu.vector_store %arg8[%swap3A_135, %swap3A_136], %swap3A_139 {strides = array<i32>} : memref<256x64xf32, #tpu.memory_space<vmem>>, vector<1x16xf32>,
      %add3A_140 = arith.constant 48 : i32
      %add3A_141 = arith.addi %squeeze3A_102, %add3A_140 : i32
      %get3A_142 = arith.index_cast %add3A_106 : i32 to index
      %get3A_143 = arith.index_cast %add3A_141 : i32 to index
      %get3A_144 = tpu.vector_load %arg7[%get3A_142, %get3A_143] {strides = array<i32>} : memref<256x128xf32, #tpu.memory_space<vmem>>, vector<1x16xf32>,
      %get3A_145 = vector.shape_cast %get3A_144 : vector<1x16xf32> to vector<16xf32>
      %swap3A_146 = arith.index_cast %add3A_106 : i32 to index
      %swap3A_147 = arith.constant 48 : index
      %swap3A_148 = tpu.vector_load %arg8[%swap3A_146, %swap3A_147] {strides = array<i32>} : memref<256x64xf32, #tpu.memory_space<vmem>>, vector<1x16xf32>,
      %swap3A_149 = vector.shape_cast %swap3A_148 : vector<1x16xf32> to vector<16xf32>
      %swap3A_150 = vector.shape_cast %get3A_145 : vector<16xf32> to vector<1x16xf32>
      tpu.vector_store %arg8[%swap3A_146, %swap3A_147], %swap3A_150 {strides = array<i32>} : memref<256x64xf32, #tpu.memory_space<vmem>>, vector<1x16xf32>,
      %slice3A_151 = vector.extract_strided_slice %mul3A_53 {offsets = [2], sizes = [1], strides = [1]} : vector<16xi32> to vector<1xi32>
      %squeeze3A_152 = vector.extract %slice3A_151[0] : i32 from vector<1xi32>
      %mul3A_153 = arith.constant 16 : i32
      %mul3A_154 = arith.muli %scan3A_42, %mul3A_153 : i32
      %add3A_155 = arith.constant 2 : i32
      %add3A_156 = arith.addi %mul3A_154, %add3A_155 : i32
      %add3A_157 = arith.constant 0 : i32
      %add3A_158 = arith.addi %squeeze3A_152, %add3A_157 : i32
      %get3A_159 = arith.index_cast %add3A_156 : i32 to index
      %get3A_160 = arith.index_cast %add3A_158 : i32 to index
      %get3A_161 = tpu.vector_load %arg7[%get3A_159, %get3A_160] {strides = array<i32>} : memref<256x128xf32, #tpu.memory_space<vmem>>, vector<1x16xf32>,
      %get3A_162 = vector.shape_cast %get3A_161 : vector<1x16xf32> to vector<16xf32>
      %swap3A_163 = arith.index_cast %add3A_156 : i32 to index
      %swap3A_164 = arith.constant 0 : index
      %swap3A_165 = tpu.vector_load %arg8[%swap3A_163, %swap3A_164] {strides = array<i32>} : memref<256x64xf32, #tpu.memory_space<vmem>>, vector<1x16xf32>,
      %swap3A_166 = vector.shape_cast %swap3A_165 : vector<1x16xf32> to vector<16xf32>
      %swap3A_167 = vector.shape_cast %get3A_162 : vector<16xf32> to vector<1x16xf32>
      tpu.vector_store %arg8[%swap3A_163, %swap3A_164], %swap3A_167 {strides = array<i32>} : memref<256x64xf32, #tpu.memory_space<vmem>>, vector<1x16xf32>,
      %add3A_168 = arith.constant 16 : i32
      %add3A_169 = arith.addi %squeeze3A_152, %add3A_168 : i32
      %get3A_170 = arith.index_cast %add3A_156 : i32 to index
      %get3A_171 = arith.index_cast %add3A_169 : i32 to index
      %get3A_172 = tpu.vector_load %arg7[%get3A_170, %get3A_171] {strides = array<i32>} : memref<256x128xf32, #tpu.memory_space<vmem>>, vector<1x16xf32>,
      %get3A_173 = vector.shape_cast %get3A_172 : vector<1x16xf32> to vector<16xf32>
      %swap3A_174 = arith.index_cast %add3A_156 : i32 to index
      %swap3A_175 = arith.constant 16 : index
      %swap3A_176 = tpu.vector_load %arg8[%swap3A_174, %swap3A_175] {strides = array<i32>} : memref<256x64xf32, #tpu.memory_space<vmem>>, vector<1x16xf32>,
      %swap3A_177 = vector.shape_cast %swap3A_176 : vector<1x16xf32> to vector<16xf32>
      %swap3A_178 = vector.shape_cast %get3A_173 : vector<16xf32> to vector<1x16xf32>
      tpu.vector_store %arg8[%swap3A_174, %swap3A_175], %swap3A_178 {strides = array<i32>} : memref<256x64xf32, #tpu.memory_space<vmem>>, vector<1x16xf32>,
      %add3A_179 = arith.constant 32 : i32
      %add3A_180 = arith.addi %squeeze3A_152, %add3A_179 : i32
      %get3A_181 = arith.index_cast %add3A_156 : i32 to index
      %get3A_182 = arith.index_cast %add3A_180 : i32 to index
      %get3A_183 = tpu.vector_load %arg7[%get3A_181, %get3A_182] {strides = array<i32>} : memref<256x128xf32, #tpu.memory_space<vmem>>, vector<1x16xf32>,
      %get3A_184 = vector.shape_cast %get3A_183 : vector<1x16xf32> to vector<16xf32>
      %swap3A_185 = arith.index_cast %add3A_156 : i32 to index
      %swap3A_186 = arith.constant 32 : index
      %swap3A_187 = tpu.vector_load %arg8[%swap3A_185, %swap3A_186] {strides = array<i32>} : memref<256x64xf32, #tpu.memory_space<vmem>>, vector<1x16xf32>,
      %swap3A_188 = vector.shape_cast %swap3A_187 : vector<1x16xf32> to vector<16xf32>
      %swap3A_189 = vector.shape_cast %get3A_184 : vector<16xf32> to vector<1x16xf32>
      tpu.vector_store %arg8[%swap3A_185, %swap3A_186], %swap3A_189 {strides = array<i32>} : memref<256x64xf32, #tpu.memory_space<vmem>>, vector<1x16xf32>,
      %add3A_190 = arith.constant 48 : i32
      %add3A_191 = arith.addi %squeeze3A_152, %add3A_190 : i32
      %get3A_192 = arith.index_cast %add3A_156 : i32 to index
      %get3A_193 = arith.index_cast %add3A_191 : i32 to index
      %get3A_194 = tpu.vector_load %arg7[%get3A_192, %get3A_193] {strides = array<i32>} : memref<256x128xf32, #tpu.memory_space<vmem>>, vector<1x16xf32>,
      %get3A_195 = vector.shape_cast %get3A_194 : vector<1x16xf32> to vector<16xf32>
      %swap3A_196 = arith.index_cast %add3A_156 : i32 to index
      %swap3A_197 = arith.constant 48 : index
      %swap3A_198 = tpu.vector_load %arg8[%swap3A_196, %swap3A_197] {strides = array<i32>} : memref<256x64xf32, #tpu.memory_space<vmem>>, vector<1x16xf32>,
      %swap3A_199 = vector.shape_cast %swap3A_198 : vector<1x16xf32> to vector<16xf32>
      %swap3A_200 = vector.shape_cast %get3A_195 : vector<16xf32> to vector<1x16xf32>
      tpu.vector_store %arg8[%swap3A_196, %swap3A_197], %swap3A_200 {strides = array<i32>} : memref<256x64xf32, #tpu.memory_space<vmem>>, vector<1x16xf32>,
      %slice3A_201 = vector.extract_strided_slice %mul3A_53 {offsets = [3], sizes = [1], strides = [1]} : vector<16xi32> to vector<1xi32>
      %squeeze3A_202 = vector.extract %slice3A_201[0] : i32 from vector<1xi32>
      %mul3A_203 = arith.constant 16 : i32
      %mul3A_204 = arith.muli %scan3A_42, %mul3A_203 : i32
      %add3A_205 = arith.constant 3 : i32
      %add3A_206 = arith.addi %mul3A_204, %add3A_205 : i32
      %add3A_207 = arith.constant 0 : i32
      %add3A_208 = arith.addi %squeeze3A_202, %add3A_207 : i32
      %get3A_209 = arith.index_cast %add3A_206 : i32 to index
      %get3A_210 = arith.index_cast %add3A_208 : i32 to index
      %get3A_211 = tpu.vector_load %arg7[%get3A_209, %get3A_210] {strides = array<i32>} : memref<256x128xf32, #tpu.memory_space<vmem>>, vector<1x16xf32>,
      %get3A_212 = vector.shape_cast %get3A_211 : vector<1x16xf32> to vector<16xf32>
      %swap3A_213 = arith.index_cast %add3A_206 : i32 to index
      %swap3A_214 = arith.constant 0 : index
      %swap3A_215 = tpu.vector_load %arg8[%swap3A_213, %swap3A_214] {strides = array<i32>} : memref<256x64xf32, #tpu.memory_space<vmem>>, vector<1x16xf32>,
      %swap3A_216 = vector.shape_cast %swap3A_215 : vector<1x16xf32> to vector<16xf32>
      %swap3A_217 = vector.shape_cast %get3A_212 : vector<16xf32> to vector<1x16xf32>
      tpu.vector_store %arg8[%swap3A_213, %swap3A_214], %swap3A_217 {strides = array<i32>} : memref<256x64xf32, #tpu.memory_space<vmem>>, vector<1x16xf32>,
      %add3A_218 = arith.constant 16 : i32
      %add3A_219 = arith.addi %squeeze3A_202, %add3A_218 : i32
      %get3A_220 = arith.index_cast %add3A_206 : i32 to index
      %get3A_221 = arith.index_cast %add3A_219 : i32 to index
      %get3A_222 = tpu.vector_load %arg7[%get3A_220, %get3A_221] {strides = array<i32>} : memref<256x128xf32, #tpu.memory_space<vmem>>, vector<1x16xf32>,
      %get3A_223 = vector.shape_cast %get3A_222 : vector<1x16xf32> to vector<16xf32>
      %swap3A_224 = arith.index_cast %add3A_206 : i32 to index
      %swap3A_225 = arith.constant 16 : index
      %swap3A_226 = tpu.vector_load %arg8[%swap3A_224, %swap3A_225] {strides = array<i32>} : memref<256x64xf32, #tpu.memory_space<vmem>>, vector<1x16xf32>,
      %swap3A_227 = vector.shape_cast %swap3A_226 : vector<1x16xf32> to vector<16xf32>
      %swap3A_228 = vector.shape_cast %get3A_223 : vector<16xf32> to vector<1x16xf32>
      tpu.vector_store %arg8[%swap3A_224, %swap3A_225], %swap3A_228 {strides = array<i32>} : memref<256x64xf32, #tpu.memory_space<vmem>>, vector<1x16xf32>,
      %add3A_229 = arith.constant 32 : i32
      %add3A_230 = arith.addi %squeeze3A_202, %add3A_229 : i32
      %get3A_231 = arith.index_cast %add3A_206 : i32 to index
      %get3A_232 = arith.index_cast %add3A_230 : i32 to index
      %get3A_233 = tpu.vector_load %arg7[%get3A_231, %get3A_232] {strides = array<i32>} : memref<256x128xf32, #tpu.memory_space<vmem>>, vector<1x16xf32>,
      %get3A_234 = vector.shape_cast %get3A_233 : vector<1x16xf32> to vector<16xf32>
      %swap3A_235 = arith.index_cast %add3A_206 : i32 to index
      %swap3A_236 = arith.constant 32 : index
      %swap3A_237 = tpu.vector_load %arg8[%swap3A_235, %swap3A_236] {strides = array<i32>} : memref<256x64xf32, #tpu.memory_space<vmem>>, vector<1x16xf32>,
      %swap3A_238 = vector.shape_cast %swap3A_237 : vector<1x16xf32> to vector<16xf32>
      %swap3A_239 = vector.shape_cast %get3A_234 : vector<16xf32> to vector<1x16xf32>
      tpu.vector_store %arg8[%swap3A_235, %swap3A_236], %swap3A_239 {strides = array<i32>} : memref<256x64xf32, #tpu.memory_space<vmem>>, vector<1x16xf32>,
      %add3A_240 = arith.constant 48 : i32
      %add3A_241 = arith.addi %squeeze3A_202, %add3A_240 : i32
      %get3A_242 = arith.index_cast %add3A_206 : i32 to index
      %get3A_243 = arith.index_cast %add3A_241 : i32 to index
      %get3A_244 = tpu.vector_load %arg7[%get3A_242, %get3A_243] {strides = array<i32>} : memref<256x128xf32, #tpu.memory_space<vmem>>, vector<1x16xf32>,
      %get3A_245 = vector.shape_cast %get3A_244 : vector<1x16xf32> to vector<16xf32>
      %swap3A_246 = arith.index_cast %add3A_206 : i32 to index
      %swap3A_247 = arith.constant 48 : index
      %swap3A_248 = tpu.vector_load %arg8[%swap3A_246, %swap3A_247] {strides = array<i32>} : memref<256x64xf32, #tpu.memory_space<vmem>>, vector<1x16xf32>,
      %swap3A_249 = vector.shape_cast %swap3A_248 : vector<1x16xf32> to vector<16xf32>
      %swap3A_250 = vector.shape_cast %get3A_245 : vector<16xf32> to vector<1x16xf32>
      tpu.vector_store %arg8[%swap3A_246, %swap3A_247], %swap3A_250 {strides = array<i32>} : memref<256x64xf32, #tpu.memory_space<vmem>>, vector<1x16xf32>,
      %slice3A_251 = vector.extract_strided_slice %mul3A_53 {offsets = [4], sizes = [1], strides = [1]} : vector<16xi32> to vector<1xi32>
      %squeeze3A_252 = vector.extract %slice3A_251[0] : i32 from vector<1xi32>
      %mul3A_253 = arith.constant 16 : i32
      %mul3A_254 = arith.muli %scan3A_42, %mul3A_253 : i32
      %add3A_255 = arith.constant 4 : i32
      %add3A_256 = arith.addi %mul3A_254, %add3A_255 : i32
      %add3A_257 = arith.constant 0 : i32
      %add3A_258 = arith.addi %squeeze3A_252, %add3A_257 : i32
      %get3A_259 = arith.index_cast %add3A_256 : i32 to index
      %get3A_260 = arith.index_cast %add3A_258 : i32 to index
      %get3A_261 = tpu.vector_load %arg7[%get3A_259, %get3A_260] {strides = array<i32>} : memref<256x128xf32, #tpu.memory_space<vmem>>, vector<1x16xf32>,
      %get3A_262 = vector.shape_cast %get3A_261 : vector<1x16xf32> to vector<16xf32>
      %swap3A_263 = arith.index_cast %add3A_256 : i32 to index
      %swap3A_264 = arith.constant 0 : index
      %swap3A_265 = tpu.vector_load %arg8[%swap3A_263, %swap3A_264] {strides = array<i32>} : memref<256x64xf32, #tpu.memory_space<vmem>>, vector<1x16xf32>,
      %swap3A_266 = vector.shape_cast %swap3A_265 : vector<1x16xf32> to vector<16xf32>
      %swap3A_267 = vector.shape_cast %get3A_262 : vector<16xf32> to vector<1x16xf32>
      tpu.vector_store %arg8[%swap3A_263, %swap3A_264], %swap3A_267 {strides = array<i32>} : memref<256x64xf32, #tpu.memory_space<vmem>>, vector<1x16xf32>,
      %add3A_268 = arith.constant 16 : i32
      %add3A_269 = arith.addi %squeeze3A_252, %add3A_268 : i32
      %get3A_270 = arith.index_cast %add3A_256 : i32 to index
      %get3A_271 = arith.index_cast %add3A_269 : i32 to index
      %get3A_272 = tpu.vector_load %arg7[%get3A_270, %get3A_271] {strides = array<i32>} : memref<256x128xf32, #tpu.memory_space<vmem>>, vector<1x16xf32>,
      %get3A_273 = vector.shape_cast %get3A_272 : vector<1x16xf32> to vector<16xf32>
      %swap3A_274 = arith.index_cast %add3A_256 : i32 to index
      %swap3A_275 = arith.constant 16 : index
      %swap3A_276 = tpu.vector_load %arg8[%swap3A_274, %swap3A_275] {strides = array<i32>} : memref<256x64xf32, #tpu.memory_space<vmem>>, vector<1x16xf32>,
      %swap3A_277 = vector.shape_cast %swap3A_276 : vector<1x16xf32> to vector<16xf32>
      %swap3A_278 = vector.shape_cast %get3A_273 : vector<16xf32> to vector<1x16xf32>
      tpu.vector_store %arg8[%swap3A_274, %swap3A_275], %swap3A_278 {strides = array<i32>} : memref<256x64xf32, #tpu.memory_space<vmem>>, vector<1x16xf32>,
      %add3A_279 = arith.constant 32 : i32
      %add3A_280 = arith.addi %squeeze3A_252, %add3A_279 : i32
      %get3A_281 = arith.index_cast %add3A_256 : i32 to index
      %get3A_282 = arith.index_cast %add3A_280 : i32 to index
      %get3A_283 = tpu.vector_load %arg7[%get3A_281, %get3A_282] {strides = array<i32>} : memref<256x128xf32, #tpu.memory_space<vmem>>, vector<1x16xf32>,
      %get3A_284 = vector.shape_cast %get3A_283 : vector<1x16xf32> to vector<16xf32>
      %swap3A_285 = arith.index_cast %add3A_256 : i32 to index
      %swap3A_286 = arith.constant 32 : index
      %swap3A_287 = tpu.vector_load %arg8[%swap3A_285, %swap3A_286] {strides = array<i32>} : memref<256x64xf32, #tpu.memory_space<vmem>>, vector<1x16xf32>,
      %swap3A_288 = vector.shape_cast %swap3A_287 : vector<1x16xf32> to vector<16xf32>
      %swap3A_289 = vector.shape_cast %get3A_284 : vector<16xf32> to vector<1x16xf32>
      tpu.vector_store %arg8[%swap3A_285, %swap3A_286], %swap3A_289 {strides = array<i32>} : memref<256x64xf32, #tpu.memory_space<vmem>>, vector<1x16xf32>,
      %add3A_290 = arith.constant 48 : i32
      %add3A_291 = arith.addi %squeeze3A_252, %add3A_290 : i32
      %get3A_292 = arith.index_cast %add3A_256 : i32 to index
      %get3A_293 = arith.index_cast %add3A_291 : i32 to index
      %get3A_294 = tpu.vector_load %arg7[%get3A_292, %get3A_293] {strides = array<i32>} : memref<256x128xf32, #tpu.memory_space<vmem>>, vector<1x16xf32>,
      %get3A_295 = vector.shape_cast %get3A_294 : vector<1x16xf32> to vector<16xf32>
      %swap3A_296 = arith.index_cast %add3A_256 : i32 to index
      %swap3A_297 = arith.constant 48 : index
      %swap3A_298 = tpu.vector_load %arg8[%swap3A_296, %swap3A_297] {strides = array<i32>} : memref<256x64xf32, #tpu.memory_space<vmem>>, vector<1x16xf32>,
      %swap3A_299 = vector.shape_cast %swap3A_298 : vector<1x16xf32> to vector<16xf32>
      %swap3A_300 = vector.shape_cast %get3A_295 : vector<16xf32> to vector<1x16xf32>
      tpu.vector_store %arg8[%swap3A_296, %swap3A_297], %swap3A_300 {strides = array<i32>} : memref<256x64xf32, #tpu.memory_space<vmem>>, vector<1x16xf32>,
      %slice3A_301 = vector.extract_strided_slice %mul3A_53 {offsets = [5], sizes = [1], strides = [1]} : vector<16xi32> to vector<1xi32>
      %squeeze3A_302 = vector.extract %slice3A_301[0] : i32 from vector<1xi32>
      %mul3A_303 = arith.constant 16 : i32
      %mul3A_304 = arith.muli %scan3A_42, %mul3A_303 : i32
      %add3A_305 = arith.constant 5 : i32
      %add3A_306 = arith.addi %mul3A_304, %add3A_305 : i32
      %add3A_307 = arith.constant 0 : i32
      %add3A_308 = arith.addi %squeeze3A_302, %add3A_307 : i32
      %get3A_309 = arith.index_cast %add3A_306 : i32 to index
      %get3A_310 = arith.index_cast %add3A_308 : i32 to index
      %get3A_311 = tpu.vector_load %arg7[%get3A_309, %get3A_310] {strides = array<i32>} : memref<256x128xf32, #tpu.memory_space<vmem>>, vector<1x16xf32>,
      %get3A_312 = vector.shape_cast %get3A_311 : vector<1x16xf32> to vector<16xf32>
      %swap3A_313 = arith.index_cast %add3A_306 : i32 to index
      %swap3A_314 = arith.constant 0 : index
      %swap3A_315 = tpu.vector_load %arg8[%swap3A_313, %swap3A_314] {strides = array<i32>} : memref<256x64xf32, #tpu.memory_space<vmem>>, vector<1x16xf32>,
      %swap3A_316 = vector.shape_cast %swap3A_315 : vector<1x16xf32> to vector<16xf32>
      %swap3A_317 = vector.shape_cast %get3A_312 : vector<16xf32> to vector<1x16xf32>
      tpu.vector_store %arg8[%swap3A_313, %swap3A_314], %swap3A_317 {strides = array<i32>} : memref<256x64xf32, #tpu.memory_space<vmem>>, vector<1x16xf32>,
      %add3A_318 = arith.constant 16 : i32
      %add3A_319 = arith.addi %squeeze3A_302, %add3A_318 : i32
      %get3A_320 = arith.index_cast %add3A_306 : i32 to index
      %get3A_321 = arith.index_cast %add3A_319 : i32 to index
      %get3A_322 = tpu.vector_load %arg7[%get3A_320, %get3A_321] {strides = array<i32>} : memref<256x128xf32, #tpu.memory_space<vmem>>, vector<1x16xf32>,
      %get3A_323 = vector.shape_cast %get3A_322 : vector<1x16xf32> to vector<16xf32>
      %swap3A_324 = arith.index_cast %add3A_306 : i32 to index
      %swap3A_325 = arith.constant 16 : index
      %swap3A_326 = tpu.vector_load %arg8[%swap3A_324, %swap3A_325] {strides = array<i32>} : memref<256x64xf32, #tpu.memory_space<vmem>>, vector<1x16xf32>,
      %swap3A_327 = vector.shape_cast %swap3A_326 : vector<1x16xf32> to vector<16xf32>
      %swap3A_328 = vector.shape_cast %get3A_323 : vector<16xf32> to vector<1x16xf32>
      tpu.vector_store %arg8[%swap3A_324, %swap3A_325], %swap3A_328 {strides = array<i32>} : memref<256x64xf32, #tpu.memory_space<vmem>>, vector<1x16xf32>,
      %add3A_329 = arith.constant 32 : i32
      %add3A_330 = arith.addi %squeeze3A_302, %add3A_329 : i32
      %get3A_331 = arith.index_cast %add3A_306 : i32 to index
      %get3A_332 = arith.index_cast %add3A_330 : i32 to index
      %get3A_333 = tpu.vector_load %arg7[%get3A_331, %get3A_332] {strides = array<i32>} : memref<256x128xf32, #tpu.memory_space<vmem>>, vector<1x16xf32>,
      %get3A_334 = vector.shape_cast %get3A_333 : vector<1x16xf32> to vector<16xf32>
      %swap3A_335 = arith.index_cast %add3A_306 : i32 to index
      %swap3A_336 = arith.constant 32 : index
      %swap3A_337 = tpu.vector_load %arg8[%swap3A_335, %swap3A_336] {strides = array<i32>} : memref<256x64xf32, #tpu.memory_space<vmem>>, vector<1x16xf32>,
      %swap3A_338 = vector.shape_cast %swap3A_337 : vector<1x16xf32> to vector<16xf32>
      %swap3A_339 = vector.shape_cast %get3A_334 : vector<16xf32> to vector<1x16xf32>
      tpu.vector_store %arg8[%swap3A_335, %swap3A_336], %swap3A_339 {strides = array<i32>} : memref<256x64xf32, #tpu.memory_space<vmem>>, vector<1x16xf32>,
      %add3A_340 = arith.constant 48 : i32
      %add3A_341 = arith.addi %squeeze3A_302, %add3A_340 : i32
      %get3A_342 = arith.index_cast %add3A_306 : i32 to index
      %get3A_343 = arith.index_cast %add3A_341 : i32 to index
      %get3A_344 = tpu.vector_load %arg7[%get3A_342, %get3A_343] {strides = array<i32>} : memref<256x128xf32, #tpu.memory_space<vmem>>, vector<1x16xf32>,
      %get3A_345 = vector.shape_cast %get3A_344 : vector<1x16xf32> to vector<16xf32>
      %swap3A_346 = arith.index_cast %add3A_306 : i32 to index
      %swap3A_347 = arith.constant 48 : index
      %swap3A_348 = tpu.vector_load %arg8[%swap3A_346, %swap3A_347] {strides = array<i32>} : memref<256x64xf32, #tpu.memory_space<vmem>>, vector<1x16xf32>,
      %swap3A_349 = vector.shape_cast %swap3A_348 : vector<1x16xf32> to vector<16xf32>
      %swap3A_350 = vector.shape_cast %get3A_345 : vector<16xf32> to vector<1x16xf32>
      tpu.vector_store %arg8[%swap3A_346, %swap3A_347], %swap3A_350 {strides = array<i32>} : memref<256x64xf32, #tpu.memory_space<vmem>>, vector<1x16xf32>,
      %slice3A_351 = vector.extract_strided_slice %mul3A_53 {offsets = [6], sizes = [1], strides = [1]} : vector<16xi32> to vector<1xi32>
      %squeeze3A_352 = vector.extract %slice3A_351[0] : i32 from vector<1xi32>
      %mul3A_353 = arith.constant 16 : i32
      %mul3A_354 = arith.muli %scan3A_42, %mul3A_353 : i32
      %add3A_355 = arith.constant 6 : i32
      %add3A_356 = arith.addi %mul3A_354, %add3A_355 : i32
      %add3A_357 = arith.constant 0 : i32
      %add3A_358 = arith.addi %squeeze3A_352, %add3A_357 : i32
      %get3A_359 = arith.index_cast %add3A_356 : i32 to index
      %get3A_360 = arith.index_cast %add3A_358 : i32 to index
      %get3A_361 = tpu.vector_load %arg7[%get3A_359, %get3A_360] {strides = array<i32>} : memref<256x128xf32, #tpu.memory_space<vmem>>, vector<1x16xf32>,
      %get3A_362 = vector.shape_cast %get3A_361 : vector<1x16xf32> to vector<16xf32>
      %swap3A_363 = arith.index_cast %add3A_356 : i32 to index
      %swap3A_364 = arith.constant 0 : index
      %swap3A_365 = tpu.vector_load %arg8[%swap3A_363, %swap3A_364] {strides = array<i32>} : memref<256x64xf32, #tpu.memory_space<vmem>>, vector<1x16xf32>,
      %swap3A_366 = vector.shape_cast %swap3A_365 : vector<1x16xf32> to vector<16xf32>
      %swap3A_367 = vector.shape_cast %get3A_362 : vector<16xf32> to vector<1x16xf32>
      tpu.vector_store %arg8[%swap3A_363, %swap3A_364], %swap3A_367 {strides = array<i32>} : memref<256x64xf32, #tpu.memory_space<vmem>>, vector<1x16xf32>,
      %add3A_368 = arith.constant 16 : i32
      %add3A_369 = arith.addi %squeeze3A_352, %add3A_368 : i32
      %get3A_370 = arith.index_cast %add3A_356 : i32 to index
      %get3A_371 = arith.index_cast %add3A_369 : i32 to index
      %get3A_372 = tpu.vector_load %arg7[%get3A_370, %get3A_371] {strides = array<i32>} : memref<256x128xf32, #tpu.memory_space<vmem>>, vector<1x16xf32>,
      %get3A_373 = vector.shape_cast %get3A_372 : vector<1x16xf32> to vector<16xf32>
      %swap3A_374 = arith.index_cast %add3A_356 : i32 to index
      %swap3A_375 = arith.constant 16 : index
      %swap3A_376 = tpu.vector_load %arg8[%swap3A_374, %swap3A_375] {strides = array<i32>} : memref<256x64xf32, #tpu.memory_space<vmem>>, vector<1x16xf32>,
      %swap3A_377 = vector.shape_cast %swap3A_376 : vector<1x16xf32> to vector<16xf32>
      %swap3A_378 = vector.shape_cast %get3A_373 : vector<16xf32> to vector<1x16xf32>
      tpu.vector_store %arg8[%swap3A_374, %swap3A_375], %swap3A_378 {strides = array<i32>} : memref<256x64xf32, #tpu.memory_space<vmem>>, vector<1x16xf32>,
      %add3A_379 = arith.constant 32 : i32
      %add3A_380 = arith.addi %squeeze3A_352, %add3A_379 : i32
      %get3A_381 = arith.index_cast %add3A_356 : i32 to index
      %get3A_382 = arith.index_cast %add3A_380 : i32 to index
      %get3A_383 = tpu.vector_load %arg7[%get3A_381, %get3A_382] {strides = array<i32>} : memref<256x128xf32, #tpu.memory_space<vmem>>, vector<1x16xf32>,
      %get3A_384 = vector.shape_cast %get3A_383 : vector<1x16xf32> to vector<16xf32>
      %swap3A_385 = arith.index_cast %add3A_356 : i32 to index
      %swap3A_386 = arith.constant 32 : index
      %swap3A_387 = tpu.vector_load %arg8[%swap3A_385, %swap3A_386] {strides = array<i32>} : memref<256x64xf32, #tpu.memory_space<vmem>>, vector<1x16xf32>,
      %swap3A_388 = vector.shape_cast %swap3A_387 : vector<1x16xf32> to vector<16xf32>
      %swap3A_389 = vector.shape_cast %get3A_384 : vector<16xf32> to vector<1x16xf32>
      tpu.vector_store %arg8[%swap3A_385, %swap3A_386], %swap3A_389 {strides = array<i32>} : memref<256x64xf32, #tpu.memory_space<vmem>>, vector<1x16xf32>,
      %add3A_390 = arith.constant 48 : i32
      %add3A_391 = arith.addi %squeeze3A_352, %add3A_390 : i32
      %get3A_392 = arith.index_cast %add3A_356 : i32 to index
      %get3A_393 = arith.index_cast %add3A_391 : i32 to index
      %get3A_394 = tpu.vector_load %arg7[%get3A_392, %get3A_393] {strides = array<i32>} : memref<256x128xf32, #tpu.memory_space<vmem>>, vector<1x16xf32>,
      %get3A_395 = vector.shape_cast %get3A_394 : vector<1x16xf32> to vector<16xf32>
      %swap3A_396 = arith.index_cast %add3A_356 : i32 to index
      %swap3A_397 = arith.constant 48 : index
      %swap3A_398 = tpu.vector_load %arg8[%swap3A_396, %swap3A_397] {strides = array<i32>} : memref<256x64xf32, #tpu.memory_space<vmem>>, vector<1x16xf32>,
      %swap3A_399 = vector.shape_cast %swap3A_398 : vector<1x16xf32> to vector<16xf32>
      %swap3A_400 = vector.shape_cast %get3A_395 : vector<16xf32> to vector<1x16xf32>
      tpu.vector_store %arg8[%swap3A_396, %swap3A_397], %swap3A_400 {strides = array<i32>} : memref<256x64xf32, #tpu.memory_space<vmem>>, vector<1x16xf32>,
      %slice3A_401 = vector.extract_strided_slice %mul3A_53 {offsets = [7], sizes = [1], strides = [1]} : vector<16xi32> to vector<1xi32>
      %squeeze3A_402 = vector.extract %slice3A_401[0] : i32 from vector<1xi32>
      %mul3A_403 = arith.constant 16 : i32
      %mul3A_404 = arith.muli %scan3A_42, %mul3A_403 : i32
      %add3A_405 = arith.constant 7 : i32
      %add3A_406 = arith.addi %mul3A_404, %add3A_405 : i32
      %add3A_407 = arith.constant 0 : i32
      %add3A_408 = arith.addi %squeeze3A_402, %add3A_407 : i32
      %get3A_409 = arith.index_cast %add3A_406 : i32 to index
      %get3A_410 = arith.index_cast %add3A_408 : i32 to index
      %get3A_411 = tpu.vector_load %arg7[%get3A_409, %get3A_410] {strides = array<i32>} : memref<256x128xf32, #tpu.memory_space<vmem>>, vector<1x16xf32>,
      %get3A_412 = vector.shape_cast %get3A_411 : vector<1x16xf32> to vector<16xf32>
      %swap3A_413 = arith.index_cast %add3A_406 : i32 to index
      %swap3A_414 = arith.constant 0 : index
      %swap3A_415 = tpu.vector_load %arg8[%swap3A_413, %swap3A_414] {strides = array<i32>} : memref<256x64xf32, #tpu.memory_space<vmem>>, vector<1x16xf32>,
      %swap3A_416 = vector.shape_cast %swap3A_415 : vector<1x16xf32> to vector<16xf32>
      %swap3A_417 = vector.shape_cast %get3A_412 : vector<16xf32> to vector<1x16xf32>
      tpu.vector_store %arg8[%swap3A_413, %swap3A_414], %swap3A_417 {strides = array<i32>} : memref<256x64xf32, #tpu.memory_space<vmem>>, vector<1x16xf32>,
      %add3A_418 = arith.constant 16 : i32
      %add3A_419 = arith.addi %squeeze3A_402, %add3A_418 : i32
      %get3A_420 = arith.index_cast %add3A_406 : i32 to index
      %get3A_421 = arith.index_cast %add3A_419 : i32 to index
      %get3A_422 = tpu.vector_load %arg7[%get3A_420, %get3A_421] {strides = array<i32>} : memref<256x128xf32, #tpu.memory_space<vmem>>, vector<1x16xf32>,
      %get3A_423 = vector.shape_cast %get3A_422 : vector<1x16xf32> to vector<16xf32>
      %swap3A_424 = arith.index_cast %add3A_406 : i32 to index
      %swap3A_425 = arith.constant 16 : index
      %swap3A_426 = tpu.vector_load %arg8[%swap3A_424, %swap3A_425] {strides = array<i32>} : memref<256x64xf32, #tpu.memory_space<vmem>>, vector<1x16xf32>,
      %swap3A_427 = vector.shape_cast %swap3A_426 : vector<1x16xf32> to vector<16xf32>
      %swap3A_428 = vector.shape_cast %get3A_423 : vector<16xf32> to vector<1x16xf32>
      tpu.vector_store %arg8[%swap3A_424, %swap3A_425], %swap3A_428 {strides = array<i32>} : memref<256x64xf32, #tpu.memory_space<vmem>>, vector<1x16xf32>,
      %add3A_429 = arith.constant 32 : i32
      %add3A_430 = arith.addi %squeeze3A_402, %add3A_429 : i32
      %get3A_431 = arith.index_cast %add3A_406 : i32 to index
      %get3A_432 = arith.index_cast %add3A_430 : i32 to index
      %get3A_433 = tpu.vector_load %arg7[%get3A_431, %get3A_432] {strides = array<i32>} : memref<256x128xf32, #tpu.memory_space<vmem>>, vector<1x16xf32>,
      %get3A_434 = vector.shape_cast %get3A_433 : vector<1x16xf32> to vector<16xf32>
      %swap3A_435 = arith.index_cast %add3A_406 : i32 to index
      %swap3A_436 = arith.constant 32 : index
      %swap3A_437 = tpu.vector_load %arg8[%swap3A_435, %swap3A_436] {strides = array<i32>} : memref<256x64xf32, #tpu.memory_space<vmem>>, vector<1x16xf32>,
      %swap3A_438 = vector.shape_cast %swap3A_437 : vector<1x16xf32> to vector<16xf32>
      %swap3A_439 = vector.shape_cast %get3A_434 : vector<16xf32> to vector<1x16xf32>
      tpu.vector_store %arg8[%swap3A_435, %swap3A_436], %swap3A_439 {strides = array<i32>} : memref<256x64xf32, #tpu.memory_space<vmem>>, vector<1x16xf32>,
      %add3A_440 = arith.constant 48 : i32
      %add3A_441 = arith.addi %squeeze3A_402, %add3A_440 : i32
      %get3A_442 = arith.index_cast %add3A_406 : i32 to index
      %get3A_443 = arith.index_cast %add3A_441 : i32 to index
      %get3A_444 = tpu.vector_load %arg7[%get3A_442, %get3A_443] {strides = array<i32>} : memref<256x128xf32, #tpu.memory_space<vmem>>, vector<1x16xf32>,
      %get3A_445 = vector.shape_cast %get3A_444 : vector<1x16xf32> to vector<16xf32>
      %swap3A_446 = arith.index_cast %add3A_406 : i32 to index
      %swap3A_447 = arith.constant 48 : index
      %swap3A_448 = tpu.vector_load %arg8[%swap3A_446, %swap3A_447] {strides = array<i32>} : memref<256x64xf32, #tpu.memory_space<vmem>>, vector<1x16xf32>,
      %swap3A_449 = vector.shape_cast %swap3A_448 : vector<1x16xf32> to vector<16xf32>
      %swap3A_450 = vector.shape_cast %get3A_445 : vector<16xf32> to vector<1x16xf32>
      tpu.vector_store %arg8[%swap3A_446, %swap3A_447], %swap3A_450 {strides = array<i32>} : memref<256x64xf32, #tpu.memory_space<vmem>>, vector<1x16xf32>,
      %slice3A_451 = vector.extract_strided_slice %mul3A_53 {offsets = [8], sizes = [1], strides = [1]} : vector<16xi32> to vector<1xi32>
      %squeeze3A_452 = vector.extract %slice3A_451[0] : i32 from vector<1xi32>
      %mul3A_453 = arith.constant 16 : i32
      %mul3A_454 = arith.muli %scan3A_42, %mul3A_453 : i32
      %add3A_455 = arith.constant 8 : i32
      %add3A_456 = arith.addi %mul3A_454, %add3A_455 : i32
      %add3A_457 = arith.constant 0 : i32
      %add3A_458 = arith.addi %squeeze3A_452, %add3A_457 : i32
      %get3A_459 = arith.index_cast %add3A_456 : i32 to index
      %get3A_460 = arith.index_cast %add3A_458 : i32 to index
      %get3A_461 = tpu.vector_load %arg7[%get3A_459, %get3A_460] {strides = array<i32>} : memref<256x128xf32, #tpu.memory_space<vmem>>, vector<1x16xf32>,
      %get3A_462 = vector.shape_cast %get3A_461 : vector<1x16xf32> to vector<16xf32>
      %swap3A_463 = arith.index_cast %add3A_456 : i32 to index
      %swap3A_464 = arith.constant 0 : index
      %swap3A_465 = tpu.vector_load %arg8[%swap3A_463, %swap3A_464] {strides = array<i32>} : memref<256x64xf32, #tpu.memory_space<vmem>>, vector<1x16xf32>,
      %swap3A_466 = vector.shape_cast %swap3A_465 : vector<1x16xf32> to vector<16xf32>
      %swap3A_467 = vector.shape_cast %get3A_462 : vector<16xf32> to vector<1x16xf32>
      tpu.vector_store %arg8[%swap3A_463, %swap3A_464], %swap3A_467 {strides = array<i32>} : memref<256x64xf32, #tpu.memory_space<vmem>>, vector<1x16xf32>,
      %add3A_468 = arith.constant 16 : i32
      %add3A_469 = arith.addi %squeeze3A_452, %add3A_468 : i32
      %get3A_470 = arith.index_cast %add3A_456 : i32 to index
      %get3A_471 = arith.index_cast %add3A_469 : i32 to index
      %get3A_472 = tpu.vector_load %arg7[%get3A_470, %get3A_471] {strides = array<i32>} : memref<256x128xf32, #tpu.memory_space<vmem>>, vector<1x16xf32>,
      %get3A_473 = vector.shape_cast %get3A_472 : vector<1x16xf32> to vector<16xf32>
      %swap3A_474 = arith.index_cast %add3A_456 : i32 to index
      %swap3A_475 = arith.constant 16 : index
      %swap3A_476 = tpu.vector_load %arg8[%swap3A_474, %swap3A_475] {strides = array<i32>} : memref<256x64xf32, #tpu.memory_space<vmem>>, vector<1x16xf32>,
      %swap3A_477 = vector.shape_cast %swap3A_476 : vector<1x16xf32> to vector<16xf32>
      %swap3A_478 = vector.shape_cast %get3A_473 : vector<16xf32> to vector<1x16xf32>
      tpu.vector_store %arg8[%swap3A_474, %swap3A_475], %swap3A_478 {strides = array<i32>} : memref<256x64xf32, #tpu.memory_space<vmem>>, vector<1x16xf32>,
      %add3A_479 = arith.constant 32 : i32
      %add3A_480 = arith.addi %squeeze3A_452, %add3A_479 : i32
      %get3A_481 = arith.index_cast %add3A_456 : i32 to index
      %get3A_482 = arith.index_cast %add3A_480 : i32 to index
      %get3A_483 = tpu.vector_load %arg7[%get3A_481, %get3A_482] {strides = array<i32>} : memref<256x128xf32, #tpu.memory_space<vmem>>, vector<1x16xf32>,
      %get3A_484 = vector.shape_cast %get3A_483 : vector<1x16xf32> to vector<16xf32>
      %swap3A_485 = arith.index_cast %add3A_456 : i32 to index
      %swap3A_486 = arith.constant 32 : index
      %swap3A_487 = tpu.vector_load %arg8[%swap3A_485, %swap3A_486] {strides = array<i32>} : memref<256x64xf32, #tpu.memory_space<vmem>>, vector<1x16xf32>,
      %swap3A_488 = vector.shape_cast %swap3A_487 : vector<1x16xf32> to vector<16xf32>
      %swap3A_489 = vector.shape_cast %get3A_484 : vector<16xf32> to vector<1x16xf32>
      tpu.vector_store %arg8[%swap3A_485, %swap3A_486], %swap3A_489 {strides = array<i32>} : memref<256x64xf32, #tpu.memory_space<vmem>>, vector<1x16xf32>,
      %add3A_490 = arith.constant 48 : i32
      %add3A_491 = arith.addi %squeeze3A_452, %add3A_490 : i32
      %get3A_492 = arith.index_cast %add3A_456 : i32 to index
      %get3A_493 = arith.index_cast %add3A_491 : i32 to index
      %get3A_494 = tpu.vector_load %arg7[%get3A_492, %get3A_493] {strides = array<i32>} : memref<256x128xf32, #tpu.memory_space<vmem>>, vector<1x16xf32>,
      %get3A_495 = vector.shape_cast %get3A_494 : vector<1x16xf32> to vector<16xf32>
      %swap3A_496 = arith.index_cast %add3A_456 : i32 to index
      %swap3A_497 = arith.constant 48 : index
      %swap3A_498 = tpu.vector_load %arg8[%swap3A_496, %swap3A_497] {strides = array<i32>} : memref<256x64xf32, #tpu.memory_space<vmem>>, vector<1x16xf32>,
      %swap3A_499 = vector.shape_cast %swap3A_498 : vector<1x16xf32> to vector<16xf32>
      %swap3A_500 = vector.shape_cast %get3A_495 : vector<16xf32> to vector<1x16xf32>
      tpu.vector_store %arg8[%swap3A_496, %swap3A_497], %swap3A_500 {strides = array<i32>} : memref<256x64xf32, #tpu.memory_space<vmem>>, vector<1x16xf32>,
      %slice3A_501 = vector.extract_strided_slice %mul3A_53 {offsets = [9], sizes = [1], strides = [1]} : vector<16xi32> to vector<1xi32>
      %squeeze3A_502 = vector.extract %slice3A_501[0] : i32 from vector<1xi32>
      %mul3A_503 = arith.constant 16 : i32
      %mul3A_504 = arith.muli %scan3A_42, %mul3A_503 : i32
      %add3A_505 = arith.constant 9 : i32
      %add3A_506 = arith.addi %mul3A_504, %add3A_505 : i32
      %add3A_507 = arith.constant 0 : i32
      %add3A_508 = arith.addi %squeeze3A_502, %add3A_507 : i32
      %get3A_509 = arith.index_cast %add3A_506 : i32 to index
      %get3A_510 = arith.index_cast %add3A_508 : i32 to index
      %get3A_511 = tpu.vector_load %arg7[%get3A_509, %get3A_510] {strides = array<i32>} : memref<256x128xf32, #tpu.memory_space<vmem>>, vector<1x16xf32>,
      %get3A_512 = vector.shape_cast %get3A_511 : vector<1x16xf32> to vector<16xf32>
      %swap3A_513 = arith.index_cast %add3A_506 : i32 to index
      %swap3A_514 = arith.constant 0 : index
      %swap3A_515 = tpu.vector_load %arg8[%swap3A_513, %swap3A_514] {strides = array<i32>} : memref<256x64xf32, #tpu.memory_space<vmem>>, vector<1x16xf32>,
      %swap3A_516 = vector.shape_cast %swap3A_515 : vector<1x16xf32> to vector<16xf32>
      %swap3A_517 = vector.shape_cast %get3A_512 : vector<16xf32> to vector<1x16xf32>
      tpu.vector_store %arg8[%swap3A_513, %swap3A_514], %swap3A_517 {strides = array<i32>} : memref<256x64xf32, #tpu.memory_space<vmem>>, vector<1x16xf32>,
      %add3A_518 = arith.constant 16 : i32
      %add3A_519 = arith.addi %squeeze3A_502, %add3A_518 : i32
      %get3A_520 = arith.index_cast %add3A_506 : i32 to index
      %get3A_521 = arith.index_cast %add3A_519 : i32 to index
      %get3A_522 = tpu.vector_load %arg7[%get3A_520, %get3A_521] {strides = array<i32>} : memref<256x128xf32, #tpu.memory_space<vmem>>, vector<1x16xf32>,
      %get3A_523 = vector.shape_cast %get3A_522 : vector<1x16xf32> to vector<16xf32>
      %swap3A_524 = arith.index_cast %add3A_506 : i32 to index
      %swap3A_525 = arith.constant 16 : index
      %swap3A_526 = tpu.vector_load %arg8[%swap3A_524, %swap3A_525] {strides = array<i32>} : memref<256x64xf32, #tpu.memory_space<vmem>>, vector<1x16xf32>,
      %swap3A_527 = vector.shape_cast %swap3A_526 : vector<1x16xf32> to vector<16xf32>
      %swap3A_528 = vector.shape_cast %get3A_523 : vector<16xf32> to vector<1x16xf32>
      tpu.vector_store %arg8[%swap3A_524, %swap3A_525], %swap3A_528 {strides = array<i32>} : memref<256x64xf32, #tpu.memory_space<vmem>>, vector<1x16xf32>,
      %add3A_529 = arith.constant 32 : i32
      %add3A_530 = arith.addi %squeeze3A_502, %add3A_529 : i32
      %get3A_531 = arith.index_cast %add3A_506 : i32 to index
      %get3A_532 = arith.index_cast %add3A_530 : i32 to index
      %get3A_533 = tpu.vector_load %arg7[%get3A_531, %get3A_532] {strides = array<i32>} : memref<256x128xf32, #tpu.memory_space<vmem>>, vector<1x16xf32>,
      %get3A_534 = vector.shape_cast %get3A_533 : vector<1x16xf32> to vector<16xf32>
      %swap3A_535 = arith.index_cast %add3A_506 : i32 to index
      %swap3A_536 = arith.constant 32 : index
      %swap3A_537 = tpu.vector_load %arg8[%swap3A_535, %swap3A_536] {strides = array<i32>} : memref<256x64xf32, #tpu.memory_space<vmem>>, vector<1x16xf32>,
      %swap3A_538 = vector.shape_cast %swap3A_537 : vector<1x16xf32> to vector<16xf32>
      %swap3A_539 = vector.shape_cast %get3A_534 : vector<16xf32> to vector<1x16xf32>
      tpu.vector_store %arg8[%swap3A_535, %swap3A_536], %swap3A_539 {strides = array<i32>} : memref<256x64xf32, #tpu.memory_space<vmem>>, vector<1x16xf32>,
      %add3A_540 = arith.constant 48 : i32
      %add3A_541 = arith.addi %squeeze3A_502, %add3A_540 : i32
      %get3A_542 = arith.index_cast %add3A_506 : i32 to index
      %get3A_543 = arith.index_cast %add3A_541 : i32 to index
      %get3A_544 = tpu.vector_load %arg7[%get3A_542, %get3A_543] {strides = array<i32>} : memref<256x128xf32, #tpu.memory_space<vmem>>, vector<1x16xf32>,
      %get3A_545 = vector.shape_cast %get3A_544 : vector<1x16xf32> to vector<16xf32>
      %swap3A_546 = arith.index_cast %add3A_506 : i32 to index
      %swap3A_547 = arith.constant 48 : index
      %swap3A_548 = tpu.vector_load %arg8[%swap3A_546, %swap3A_547] {strides = array<i32>} : memref<256x64xf32, #tpu.memory_space<vmem>>, vector<1x16xf32>,
      %swap3A_549 = vector.shape_cast %swap3A_548 : vector<1x16xf32> to vector<16xf32>
      %swap3A_550 = vector.shape_cast %get3A_545 : vector<16xf32> to vector<1x16xf32>
      tpu.vector_store %arg8[%swap3A_546, %swap3A_547], %swap3A_550 {strides = array<i32>} : memref<256x64xf32, #tpu.memory_space<vmem>>, vector<1x16xf32>,
      %slice3A_551 = vector.extract_strided_slice %mul3A_53 {offsets = [10], sizes = [1], strides = [1]} : vector<16xi32> to vector<1xi32>
      %squeeze3A_552 = vector.extract %slice3A_551[0] : i32 from vector<1xi32>
      %mul3A_553 = arith.constant 16 : i32
      %mul3A_554 = arith.muli %scan3A_42, %mul3A_553 : i32
      %add3A_555 = arith.constant 10 : i32
      %add3A_556 = arith.addi %mul3A_554, %add3A_555 : i32
      %add3A_557 = arith.constant 0 : i32
      %add3A_558 = arith.addi %squeeze3A_552, %add3A_557 : i32
      %get3A_559 = arith.index_cast %add3A_556 : i32 to index
      %get3A_560 = arith.index_cast %add3A_558 : i32 to index
      %get3A_561 = tpu.vector_load %arg7[%get3A_559, %get3A_560] {strides = array<i32>} : memref<256x128xf32, #tpu.memory_space<vmem>>, vector<1x16xf32>,
      %get3A_562 = vector.shape_cast %get3A_561 : vector<1x16xf32> to vector<16xf32>
      %swap3A_563 = arith.index_cast %add3A_556 : i32 to index
      %swap3A_564 = arith.constant 0 : index
      %swap3A_565 = tpu.vector_load %arg8[%swap3A_563, %swap3A_564] {strides = array<i32>} : memref<256x64xf32, #tpu.memory_space<vmem>>, vector<1x16xf32>,
      %swap3A_566 = vector.shape_cast %swap3A_565 : vector<1x16xf32> to vector<16xf32>
      %swap3A_567 = vector.shape_cast %get3A_562 : vector<16xf32> to vector<1x16xf32>
      tpu.vector_store %arg8[%swap3A_563, %swap3A_564], %swap3A_567 {strides = array<i32>} : memref<256x64xf32, #tpu.memory_space<vmem>>, vector<1x16xf32>,
      %add3A_568 = arith.constant 16 : i32
      %add3A_569 = arith.addi %squeeze3A_552, %add3A_568 : i32
      %get3A_570 = arith.index_cast %add3A_556 : i32 to index
      %get3A_571 = arith.index_cast %add3A_569 : i32 to index
      %get3A_572 = tpu.vector_load %arg7[%get3A_570, %get3A_571] {strides = array<i32>} : memref<256x128xf32, #tpu.memory_space<vmem>>, vector<1x16xf32>,
      %get3A_573 = vector.shape_cast %get3A_572 : vector<1x16xf32> to vector<16xf32>
      %swap3A_574 = arith.index_cast %add3A_556 : i32 to index
      %swap3A_575 = arith.constant 16 : index
      %swap3A_576 = tpu.vector_load %arg8[%swap3A_574, %swap3A_575] {strides = array<i32>} : memref<256x64xf32, #tpu.memory_space<vmem>>, vector<1x16xf32>,
      %swap3A_577 = vector.shape_cast %swap3A_576 : vector<1x16xf32> to vector<16xf32>
      %swap3A_578 = vector.shape_cast %get3A_573 : vector<16xf32> to vector<1x16xf32>
      tpu.vector_store %arg8[%swap3A_574, %swap3A_575], %swap3A_578 {strides = array<i32>} : memref<256x64xf32, #tpu.memory_space<vmem>>, vector<1x16xf32>,
      %add3A_579 = arith.constant 32 : i32
      %add3A_580 = arith.addi %squeeze3A_552, %add3A_579 : i32
      %get3A_581 = arith.index_cast %add3A_556 : i32 to index
      %get3A_582 = arith.index_cast %add3A_580 : i32 to index
      %get3A_583 = tpu.vector_load %arg7[%get3A_581, %get3A_582] {strides = array<i32>} : memref<256x128xf32, #tpu.memory_space<vmem>>, vector<1x16xf32>,
      %get3A_584 = vector.shape_cast %get3A_583 : vector<1x16xf32> to vector<16xf32>
      %swap3A_585 = arith.index_cast %add3A_556 : i32 to index
      %swap3A_586 = arith.constant 32 : index
      %swap3A_587 = tpu.vector_load %arg8[%swap3A_585, %swap3A_586] {strides = array<i32>} : memref<256x64xf32, #tpu.memory_space<vmem>>, vector<1x16xf32>,
      %swap3A_588 = vector.shape_cast %swap3A_587 : vector<1x16xf32> to vector<16xf32>
      %swap3A_589 = vector.shape_cast %get3A_584 : vector<16xf32> to vector<1x16xf32>
      tpu.vector_store %arg8[%swap3A_585, %swap3A_586], %swap3A_589 {strides = array<i32>} : memref<256x64xf32, #tpu.memory_space<vmem>>, vector<1x16xf32>,
      %add3A_590 = arith.constant 48 : i32
      %add3A_591 = arith.addi %squeeze3A_552, %add3A_590 : i32
      %get3A_592 = arith.index_cast %add3A_556 : i32 to index
      %get3A_593 = arith.index_cast %add3A_591 : i32 to index
      %get3A_594 = tpu.vector_load %arg7[%get3A_592, %get3A_593] {strides = array<i32>} : memref<256x128xf32, #tpu.memory_space<vmem>>, vector<1x16xf32>,
      %get3A_595 = vector.shape_cast %get3A_594 : vector<1x16xf32> to vector<16xf32>
      %swap3A_596 = arith.index_cast %add3A_556 : i32 to index
      %swap3A_597 = arith.constant 48 : index
      %swap3A_598 = tpu.vector_load %arg8[%swap3A_596, %swap3A_597] {strides = array<i32>} : memref<256x64xf32, #tpu.memory_space<vmem>>, vector<1x16xf32>,
      %swap3A_599 = vector.shape_cast %swap3A_598 : vector<1x16xf32> to vector<16xf32>
      %swap3A_600 = vector.shape_cast %get3A_595 : vector<16xf32> to vector<1x16xf32>
      tpu.vector_store %arg8[%swap3A_596, %swap3A_597], %swap3A_600 {strides = array<i32>} : memref<256x64xf32, #tpu.memory_space<vmem>>, vector<1x16xf32>,
      %slice3A_601 = vector.extract_strided_slice %mul3A_53 {offsets = [11], sizes = [1], strides = [1]} : vector<16xi32> to vector<1xi32>
      %squeeze3A_602 = vector.extract %slice3A_601[0] : i32 from vector<1xi32>
      %mul3A_603 = arith.constant 16 : i32
      %mul3A_604 = arith.muli %scan3A_42, %mul3A_603 : i32
      %add3A_605 = arith.constant 11 : i32
      %add3A_606 = arith.addi %mul3A_604, %add3A_605 : i32
      %add3A_607 = arith.constant 0 : i32
      %add3A_608 = arith.addi %squeeze3A_602, %add3A_607 : i32
      %get3A_609 = arith.index_cast %add3A_606 : i32 to index
      %get3A_610 = arith.index_cast %add3A_608 : i32 to index
      %get3A_611 = tpu.vector_load %arg7[%get3A_609, %get3A_610] {strides = array<i32>} : memref<256x128xf32, #tpu.memory_space<vmem>>, vector<1x16xf32>,
      %get3A_612 = vector.shape_cast %get3A_611 : vector<1x16xf32> to vector<16xf32>
      %swap3A_613 = arith.index_cast %add3A_606 : i32 to index
      %swap3A_614 = arith.constant 0 : index
      %swap3A_615 = tpu.vector_load %arg8[%swap3A_613, %swap3A_614] {strides = array<i32>} : memref<256x64xf32, #tpu.memory_space<vmem>>, vector<1x16xf32>,
      %swap3A_616 = vector.shape_cast %swap3A_615 : vector<1x16xf32> to vector<16xf32>
      %swap3A_617 = vector.shape_cast %get3A_612 : vector<16xf32> to vector<1x16xf32>
      tpu.vector_store %arg8[%swap3A_613, %swap3A_614], %swap3A_617 {strides = array<i32>} : memref<256x64xf32, #tpu.memory_space<vmem>>, vector<1x16xf32>,
      %add3A_618 = arith.constant 16 : i32
      %add3A_619 = arith.addi %squeeze3A_602, %add3A_618 : i32
      %get3A_620 = arith.index_cast %add3A_606 : i32 to index
      %get3A_621 = arith.index_cast %add3A_619 : i32 to index
      %get3A_622 = tpu.vector_load %arg7[%get3A_620, %get3A_621] {strides = array<i32>} : memref<256x128xf32, #tpu.memory_space<vmem>>, vector<1x16xf32>,
      %get3A_623 = vector.shape_cast %get3A_622 : vector<1x16xf32> to vector<16xf32>
      %swap3A_624 = arith.index_cast %add3A_606 : i32 to index
      %swap3A_625 = arith.constant 16 : index
      %swap3A_626 = tpu.vector_load %arg8[%swap3A_624, %swap3A_625] {strides = array<i32>} : memref<256x64xf32, #tpu.memory_space<vmem>>, vector<1x16xf32>,
      %swap3A_627 = vector.shape_cast %swap3A_626 : vector<1x16xf32> to vector<16xf32>
      %swap3A_628 = vector.shape_cast %get3A_623 : vector<16xf32> to vector<1x16xf32>
      tpu.vector_store %arg8[%swap3A_624, %swap3A_625], %swap3A_628 {strides = array<i32>} : memref<256x64xf32, #tpu.memory_space<vmem>>, vector<1x16xf32>,
      %add3A_629 = arith.constant 32 : i32
      %add3A_630 = arith.addi %squeeze3A_602, %add3A_629 : i32
      %get3A_631 = arith.index_cast %add3A_606 : i32 to index
      %get3A_632 = arith.index_cast %add3A_630 : i32 to index
      %get3A_633 = tpu.vector_load %arg7[%get3A_631, %get3A_632] {strides = array<i32>} : memref<256x128xf32, #tpu.memory_space<vmem>>, vector<1x16xf32>,
      %get3A_634 = vector.shape_cast %get3A_633 : vector<1x16xf32> to vector<16xf32>
      %swap3A_635 = arith.index_cast %add3A_606 : i32 to index
      %swap3A_636 = arith.constant 32 : index
      %swap3A_637 = tpu.vector_load %arg8[%swap3A_635, %swap3A_636] {strides = array<i32>} : memref<256x64xf32, #tpu.memory_space<vmem>>, vector<1x16xf32>,
      %swap3A_638 = vector.shape_cast %swap3A_637 : vector<1x16xf32> to vector<16xf32>
      %swap3A_639 = vector.shape_cast %get3A_634 : vector<16xf32> to vector<1x16xf32>
      tpu.vector_store %arg8[%swap3A_635, %swap3A_636], %swap3A_639 {strides = array<i32>} : memref<256x64xf32, #tpu.memory_space<vmem>>, vector<1x16xf32>,
      %add3A_640 = arith.constant 48 : i32
      %add3A_641 = arith.addi %squeeze3A_602, %add3A_640 : i32
      %get3A_642 = arith.index_cast %add3A_606 : i32 to index
      %get3A_643 = arith.index_cast %add3A_641 : i32 to index
      %get3A_644 = tpu.vector_load %arg7[%get3A_642, %get3A_643] {strides = array<i32>} : memref<256x128xf32, #tpu.memory_space<vmem>>, vector<1x16xf32>,
      %get3A_645 = vector.shape_cast %get3A_644 : vector<1x16xf32> to vector<16xf32>
      %swap3A_646 = arith.index_cast %add3A_606 : i32 to index
      %swap3A_647 = arith.constant 48 : index
      %swap3A_648 = tpu.vector_load %arg8[%swap3A_646, %swap3A_647] {strides = array<i32>} : memref<256x64xf32, #tpu.memory_space<vmem>>, vector<1x16xf32>,
      %swap3A_649 = vector.shape_cast %swap3A_648 : vector<1x16xf32> to vector<16xf32>
      %swap3A_650 = vector.shape_cast %get3A_645 : vector<16xf32> to vector<1x16xf32>
      tpu.vector_store %arg8[%swap3A_646, %swap3A_647], %swap3A_650 {strides = array<i32>} : memref<256x64xf32, #tpu.memory_space<vmem>>, vector<1x16xf32>,
      %slice3A_651 = vector.extract_strided_slice %mul3A_53 {offsets = [12], sizes = [1], strides = [1]} : vector<16xi32> to vector<1xi32>
      %squeeze3A_652 = vector.extract %slice3A_651[0] : i32 from vector<1xi32>
      %mul3A_653 = arith.constant 16 : i32
      %mul3A_654 = arith.muli %scan3A_42, %mul3A_653 : i32
      %add3A_655 = arith.constant 12 : i32
      %add3A_656 = arith.addi %mul3A_654, %add3A_655 : i32
      %add3A_657 = arith.constant 0 : i32
      %add3A_658 = arith.addi %squeeze3A_652, %add3A_657 : i32
      %get3A_659 = arith.index_cast %add3A_656 : i32 to index
      %get3A_660 = arith.index_cast %add3A_658 : i32 to index
      %get3A_661 = tpu.vector_load %arg7[%get3A_659, %get3A_660] {strides = array<i32>} : memref<256x128xf32, #tpu.memory_space<vmem>>, vector<1x16xf32>,
      %get3A_662 = vector.shape_cast %get3A_661 : vector<1x16xf32> to vector<16xf32>
      %swap3A_663 = arith.index_cast %add3A_656 : i32 to index
      %swap3A_664 = arith.constant 0 : index
      %swap3A_665 = tpu.vector_load %arg8[%swap3A_663, %swap3A_664] {strides = array<i32>} : memref<256x64xf32, #tpu.memory_space<vmem>>, vector<1x16xf32>,
      %swap3A_666 = vector.shape_cast %swap3A_665 : vector<1x16xf32> to vector<16xf32>
      %swap3A_667 = vector.shape_cast %get3A_662 : vector<16xf32> to vector<1x16xf32>
      tpu.vector_store %arg8[%swap3A_663, %swap3A_664], %swap3A_667 {strides = array<i32>} : memref<256x64xf32, #tpu.memory_space<vmem>>, vector<1x16xf32>,
      %add3A_668 = arith.constant 16 : i32
      %add3A_669 = arith.addi %squeeze3A_652, %add3A_668 : i32
      %get3A_670 = arith.index_cast %add3A_656 : i32 to index
      %get3A_671 = arith.index_cast %add3A_669 : i32 to index
      %get3A_672 = tpu.vector_load %arg7[%get3A_670, %get3A_671] {strides = array<i32>} : memref<256x128xf32, #tpu.memory_space<vmem>>, vector<1x16xf32>,
      %get3A_673 = vector.shape_cast %get3A_672 : vector<1x16xf32> to vector<16xf32>
      %swap3A_674 = arith.index_cast %add3A_656 : i32 to index
      %swap3A_675 = arith.constant 16 : index
      %swap3A_676 = tpu.vector_load %arg8[%swap3A_674, %swap3A_675] {strides = array<i32>} : memref<256x64xf32, #tpu.memory_space<vmem>>, vector<1x16xf32>,
      %swap3A_677 = vector.shape_cast %swap3A_676 : vector<1x16xf32> to vector<16xf32>
      %swap3A_678 = vector.shape_cast %get3A_673 : vector<16xf32> to vector<1x16xf32>
      tpu.vector_store %arg8[%swap3A_674, %swap3A_675], %swap3A_678 {strides = array<i32>} : memref<256x64xf32, #tpu.memory_space<vmem>>, vector<1x16xf32>,
      %add3A_679 = arith.constant 32 : i32
      %add3A_680 = arith.addi %squeeze3A_652, %add3A_679 : i32
      %get3A_681 = arith.index_cast %add3A_656 : i32 to index
      %get3A_682 = arith.index_cast %add3A_680 : i32 to index
      %get3A_683 = tpu.vector_load %arg7[%get3A_681, %get3A_682] {strides = array<i32>} : memref<256x128xf32, #tpu.memory_space<vmem>>, vector<1x16xf32>,
      %get3A_684 = vector.shape_cast %get3A_683 : vector<1x16xf32> to vector<16xf32>
      %swap3A_685 = arith.index_cast %add3A_656 : i32 to index
      %swap3A_686 = arith.constant 32 : index
      %swap3A_687 = tpu.vector_load %arg8[%swap3A_685, %swap3A_686] {strides = array<i32>} : memref<256x64xf32, #tpu.memory_space<vmem>>, vector<1x16xf32>,
      %swap3A_688 = vector.shape_cast %swap3A_687 : vector<1x16xf32> to vector<16xf32>
      %swap3A_689 = vector.shape_cast %get3A_684 : vector<16xf32> to vector<1x16xf32>
      tpu.vector_store %arg8[%swap3A_685, %swap3A_686], %swap3A_689 {strides = array<i32>} : memref<256x64xf32, #tpu.memory_space<vmem>>, vector<1x16xf32>,
      %add3A_690 = arith.constant 48 : i32
      %add3A_691 = arith.addi %squeeze3A_652, %add3A_690 : i32
      %get3A_692 = arith.index_cast %add3A_656 : i32 to index
      %get3A_693 = arith.index_cast %add3A_691 : i32 to index
      %get3A_694 = tpu.vector_load %arg7[%get3A_692, %get3A_693] {strides = array<i32>} : memref<256x128xf32, #tpu.memory_space<vmem>>, vector<1x16xf32>,
      %get3A_695 = vector.shape_cast %get3A_694 : vector<1x16xf32> to vector<16xf32>
      %swap3A_696 = arith.index_cast %add3A_656 : i32 to index
      %swap3A_697 = arith.constant 48 : index
      %swap3A_698 = tpu.vector_load %arg8[%swap3A_696, %swap3A_697] {strides = array<i32>} : memref<256x64xf32, #tpu.memory_space<vmem>>, vector<1x16xf32>,
      %swap3A_699 = vector.shape_cast %swap3A_698 : vector<1x16xf32> to vector<16xf32>
      %swap3A_700 = vector.shape_cast %get3A_695 : vector<16xf32> to vector<1x16xf32>
      tpu.vector_store %arg8[%swap3A_696, %swap3A_697], %swap3A_700 {strides = array<i32>} : memref<256x64xf32, #tpu.memory_space<vmem>>, vector<1x16xf32>,
      %slice3A_701 = vector.extract_strided_slice %mul3A_53 {offsets = [13], sizes = [1], strides = [1]} : vector<16xi32> to vector<1xi32>
      %squeeze3A_702 = vector.extract %slice3A_701[0] : i32 from vector<1xi32>
      %mul3A_703 = arith.constant 16 : i32
      %mul3A_704 = arith.muli %scan3A_42, %mul3A_703 : i32
      %add3A_705 = arith.constant 13 : i32
      %add3A_706 = arith.addi %mul3A_704, %add3A_705 : i32
      %add3A_707 = arith.constant 0 : i32
      %add3A_708 = arith.addi %squeeze3A_702, %add3A_707 : i32
      %get3A_709 = arith.index_cast %add3A_706 : i32 to index
      %get3A_710 = arith.index_cast %add3A_708 : i32 to index
      %get3A_711 = tpu.vector_load %arg7[%get3A_709, %get3A_710] {strides = array<i32>} : memref<256x128xf32, #tpu.memory_space<vmem>>, vector<1x16xf32>,
      %get3A_712 = vector.shape_cast %get3A_711 : vector<1x16xf32> to vector<16xf32>
      %swap3A_713 = arith.index_cast %add3A_706 : i32 to index
      %swap3A_714 = arith.constant 0 : index
      %swap3A_715 = tpu.vector_load %arg8[%swap3A_713, %swap3A_714] {strides = array<i32>} : memref<256x64xf32, #tpu.memory_space<vmem>>, vector<1x16xf32>,
      %swap3A_716 = vector.shape_cast %swap3A_715 : vector<1x16xf32> to vector<16xf32>
      %swap3A_717 = vector.shape_cast %get3A_712 : vector<16xf32> to vector<1x16xf32>
      tpu.vector_store %arg8[%swap3A_713, %swap3A_714], %swap3A_717 {strides = array<i32>} : memref<256x64xf32, #tpu.memory_space<vmem>>, vector<1x16xf32>,
      %add3A_718 = arith.constant 16 : i32
      %add3A_719 = arith.addi %squeeze3A_702, %add3A_718 : i32
      %get3A_720 = arith.index_cast %add3A_706 : i32 to index
      %get3A_721 = arith.index_cast %add3A_719 : i32 to index
      %get3A_722 = tpu.vector_load %arg7[%get3A_720, %get3A_721] {strides = array<i32>} : memref<256x128xf32, #tpu.memory_space<vmem>>, vector<1x16xf32>,
      %get3A_723 = vector.shape_cast %get3A_722 : vector<1x16xf32> to vector<16xf32>
      %swap3A_724 = arith.index_cast %add3A_706 : i32 to index
      %swap3A_725 = arith.constant 16 : index
      %swap3A_726 = tpu.vector_load %arg8[%swap3A_724, %swap3A_725] {strides = array<i32>} : memref<256x64xf32, #tpu.memory_space<vmem>>, vector<1x16xf32>,
      %swap3A_727 = vector.shape_cast %swap3A_726 : vector<1x16xf32> to vector<16xf32>
      %swap3A_728 = vector.shape_cast %get3A_723 : vector<16xf32> to vector<1x16xf32>
      tpu.vector_store %arg8[%swap3A_724, %swap3A_725], %swap3A_728 {strides = array<i32>} : memref<256x64xf32, #tpu.memory_space<vmem>>, vector<1x16xf32>,
      %add3A_729 = arith.constant 32 : i32
      %add3A_730 = arith.addi %squeeze3A_702, %add3A_729 : i32
      %get3A_731 = arith.index_cast %add3A_706 : i32 to index
      %get3A_732 = arith.index_cast %add3A_730 : i32 to index
      %get3A_733 = tpu.vector_load %arg7[%get3A_731, %get3A_732] {strides = array<i32>} : memref<256x128xf32, #tpu.memory_space<vmem>>, vector<1x16xf32>,
      %get3A_734 = vector.shape_cast %get3A_733 : vector<1x16xf32> to vector<16xf32>
      %swap3A_735 = arith.index_cast %add3A_706 : i32 to index
      %swap3A_736 = arith.constant 32 : index
      %swap3A_737 = tpu.vector_load %arg8[%swap3A_735, %swap3A_736] {strides = array<i32>} : memref<256x64xf32, #tpu.memory_space<vmem>>, vector<1x16xf32>,
      %swap3A_738 = vector.shape_cast %swap3A_737 : vector<1x16xf32> to vector<16xf32>
      %swap3A_739 = vector.shape_cast %get3A_734 : vector<16xf32> to vector<1x16xf32>
      tpu.vector_store %arg8[%swap3A_735, %swap3A_736], %swap3A_739 {strides = array<i32>} : memref<256x64xf32, #tpu.memory_space<vmem>>, vector<1x16xf32>,
      %add3A_740 = arith.constant 48 : i32
      %add3A_741 = arith.addi %squeeze3A_702, %add3A_740 : i32
      %get3A_742 = arith.index_cast %add3A_706 : i32 to index
      %get3A_743 = arith.index_cast %add3A_741 : i32 to index
      %get3A_744 = tpu.vector_load %arg7[%get3A_742, %get3A_743] {strides = array<i32>} : memref<256x128xf32, #tpu.memory_space<vmem>>, vector<1x16xf32>,
      %get3A_745 = vector.shape_cast %get3A_744 : vector<1x16xf32> to vector<16xf32>
      %swap3A_746 = arith.index_cast %add3A_706 : i32 to index
      %swap3A_747 = arith.constant 48 : index
      %swap3A_748 = tpu.vector_load %arg8[%swap3A_746, %swap3A_747] {strides = array<i32>} : memref<256x64xf32, #tpu.memory_space<vmem>>, vector<1x16xf32>,
      %swap3A_749 = vector.shape_cast %swap3A_748 : vector<1x16xf32> to vector<16xf32>
      %swap3A_750 = vector.shape_cast %get3A_745 : vector<16xf32> to vector<1x16xf32>
      tpu.vector_store %arg8[%swap3A_746, %swap3A_747], %swap3A_750 {strides = array<i32>} : memref<256x64xf32, #tpu.memory_space<vmem>>, vector<1x16xf32>,
      %slice3A_751 = vector.extract_strided_slice %mul3A_53 {offsets = [14], sizes = [1], strides = [1]} : vector<16xi32> to vector<1xi32>
      %squeeze3A_752 = vector.extract %slice3A_751[0] : i32 from vector<1xi32>
      %mul3A_753 = arith.constant 16 : i32
      %mul3A_754 = arith.muli %scan3A_42, %mul3A_753 : i32
      %add3A_755 = arith.constant 14 : i32
      %add3A_756 = arith.addi %mul3A_754, %add3A_755 : i32
      %add3A_757 = arith.constant 0 : i32
      %add3A_758 = arith.addi %squeeze3A_752, %add3A_757 : i32
      %get3A_759 = arith.index_cast %add3A_756 : i32 to index
      %get3A_760 = arith.index_cast %add3A_758 : i32 to index
      %get3A_761 = tpu.vector_load %arg7[%get3A_759, %get3A_760] {strides = array<i32>} : memref<256x128xf32, #tpu.memory_space<vmem>>, vector<1x16xf32>,
      %get3A_762 = vector.shape_cast %get3A_761 : vector<1x16xf32> to vector<16xf32>
      %swap3A_763 = arith.index_cast %add3A_756 : i32 to index
      %swap3A_764 = arith.constant 0 : index
      %swap3A_765 = tpu.vector_load %arg8[%swap3A_763, %swap3A_764] {strides = array<i32>} : memref<256x64xf32, #tpu.memory_space<vmem>>, vector<1x16xf32>,
      %swap3A_766 = vector.shape_cast %swap3A_765 : vector<1x16xf32> to vector<16xf32>
      %swap3A_767 = vector.shape_cast %get3A_762 : vector<16xf32> to vector<1x16xf32>
      tpu.vector_store %arg8[%swap3A_763, %swap3A_764], %swap3A_767 {strides = array<i32>} : memref<256x64xf32, #tpu.memory_space<vmem>>, vector<1x16xf32>,
      %add3A_768 = arith.constant 16 : i32
      %add3A_769 = arith.addi %squeeze3A_752, %add3A_768 : i32
      %get3A_770 = arith.index_cast %add3A_756 : i32 to index
      %get3A_771 = arith.index_cast %add3A_769 : i32 to index
      %get3A_772 = tpu.vector_load %arg7[%get3A_770, %get3A_771] {strides = array<i32>} : memref<256x128xf32, #tpu.memory_space<vmem>>, vector<1x16xf32>,
      %get3A_773 = vector.shape_cast %get3A_772 : vector<1x16xf32> to vector<16xf32>
      %swap3A_774 = arith.index_cast %add3A_756 : i32 to index
      %swap3A_775 = arith.constant 16 : index
      %swap3A_776 = tpu.vector_load %arg8[%swap3A_774, %swap3A_775] {strides = array<i32>} : memref<256x64xf32, #tpu.memory_space<vmem>>, vector<1x16xf32>,
      %swap3A_777 = vector.shape_cast %swap3A_776 : vector<1x16xf32> to vector<16xf32>
      %swap3A_778 = vector.shape_cast %get3A_773 : vector<16xf32> to vector<1x16xf32>
      tpu.vector_store %arg8[%swap3A_774, %swap3A_775], %swap3A_778 {strides = array<i32>} : memref<256x64xf32, #tpu.memory_space<vmem>>, vector<1x16xf32>,
      %add3A_779 = arith.constant 32 : i32
      %add3A_780 = arith.addi %squeeze3A_752, %add3A_779 : i32
      %get3A_781 = arith.index_cast %add3A_756 : i32 to index
      %get3A_782 = arith.index_cast %add3A_780 : i32 to index
      %get3A_783 = tpu.vector_load %arg7[%get3A_781, %get3A_782] {strides = array<i32>} : memref<256x128xf32, #tpu.memory_space<vmem>>, vector<1x16xf32>,
      %get3A_784 = vector.shape_cast %get3A_783 : vector<1x16xf32> to vector<16xf32>
      %swap3A_785 = arith.index_cast %add3A_756 : i32 to index
      %swap3A_786 = arith.constant 32 : index
      %swap3A_787 = tpu.vector_load %arg8[%swap3A_785, %swap3A_786] {strides = array<i32>} : memref<256x64xf32, #tpu.memory_space<vmem>>, vector<1x16xf32>,
      %swap3A_788 = vector.shape_cast %swap3A_787 : vector<1x16xf32> to vector<16xf32>
      %swap3A_789 = vector.shape_cast %get3A_784 : vector<16xf32> to vector<1x16xf32>
      tpu.vector_store %arg8[%swap3A_785, %swap3A_786], %swap3A_789 {strides = array<i32>} : memref<256x64xf32, #tpu.memory_space<vmem>>, vector<1x16xf32>,
      %add3A_790 = arith.constant 48 : i32
      %add3A_791 = arith.addi %squeeze3A_752, %add3A_790 : i32
      %get3A_792 = arith.index_cast %add3A_756 : i32 to index
      %get3A_793 = arith.index_cast %add3A_791 : i32 to index
      %get3A_794 = tpu.vector_load %arg7[%get3A_792, %get3A_793] {strides = array<i32>} : memref<256x128xf32, #tpu.memory_space<vmem>>, vector<1x16xf32>,
      %get3A_795 = vector.shape_cast %get3A_794 : vector<1x16xf32> to vector<16xf32>
      %swap3A_796 = arith.index_cast %add3A_756 : i32 to index
      %swap3A_797 = arith.constant 48 : index
      %swap3A_798 = tpu.vector_load %arg8[%swap3A_796, %swap3A_797] {strides = array<i32>} : memref<256x64xf32, #tpu.memory_space<vmem>>, vector<1x16xf32>,
      %swap3A_799 = vector.shape_cast %swap3A_798 : vector<1x16xf32> to vector<16xf32>
      %swap3A_800 = vector.shape_cast %get3A_795 : vector<16xf32> to vector<1x16xf32>
      tpu.vector_store %arg8[%swap3A_796, %swap3A_797], %swap3A_800 {strides = array<i32>} : memref<256x64xf32, #tpu.memory_space<vmem>>, vector<1x16xf32>,
      %slice3A_801 = vector.extract_strided_slice %mul3A_53 {offsets = [15], sizes = [1], strides = [1]} : vector<16xi32> to vector<1xi32>
      %squeeze3A_802 = vector.extract %slice3A_801[0] : i32 from vector<1xi32>
      %mul3A_803 = arith.constant 16 : i32
      %mul3A_804 = arith.muli %scan3A_42, %mul3A_803 : i32
      %add3A_805 = arith.constant 15 : i32
      %add3A_806 = arith.addi %mul3A_804, %add3A_805 : i32
      %add3A_807 = arith.constant 0 : i32
      %add3A_808 = arith.addi %squeeze3A_802, %add3A_807 : i32
      %get3A_809 = arith.index_cast %add3A_806 : i32 to index
      %get3A_810 = arith.index_cast %add3A_808 : i32 to index
      %get3A_811 = tpu.vector_load %arg7[%get3A_809, %get3A_810] {strides = array<i32>} : memref<256x128xf32, #tpu.memory_space<vmem>>, vector<1x16xf32>,
      %get3A_812 = vector.shape_cast %get3A_811 : vector<1x16xf32> to vector<16xf32>
      %swap3A_813 = arith.index_cast %add3A_806 : i32 to index
      %swap3A_814 = arith.constant 0 : index
      %swap3A_815 = tpu.vector_load %arg8[%swap3A_813, %swap3A_814] {strides = array<i32>} : memref<256x64xf32, #tpu.memory_space<vmem>>, vector<1x16xf32>,
      %swap3A_816 = vector.shape_cast %swap3A_815 : vector<1x16xf32> to vector<16xf32>
      %swap3A_817 = vector.shape_cast %get3A_812 : vector<16xf32> to vector<1x16xf32>
      tpu.vector_store %arg8[%swap3A_813, %swap3A_814], %swap3A_817 {strides = array<i32>} : memref<256x64xf32, #tpu.memory_space<vmem>>, vector<1x16xf32>,
      %add3A_818 = arith.constant 16 : i32
      %add3A_819 = arith.addi %squeeze3A_802, %add3A_818 : i32
      %get3A_820 = arith.index_cast %add3A_806 : i32 to index
      %get3A_821 = arith.index_cast %add3A_819 : i32 to index
      %get3A_822 = tpu.vector_load %arg7[%get3A_820, %get3A_821] {strides = array<i32>} : memref<256x128xf32, #tpu.memory_space<vmem>>, vector<1x16xf32>,
      %get3A_823 = vector.shape_cast %get3A_822 : vector<1x16xf32> to vector<16xf32>
      %swap3A_824 = arith.index_cast %add3A_806 : i32 to index
      %swap3A_825 = arith.constant 16 : index
      %swap3A_826 = tpu.vector_load %arg8[%swap3A_824, %swap3A_825] {strides = array<i32>} : memref<256x64xf32, #tpu.memory_space<vmem>>, vector<1x16xf32>,
      %swap3A_827 = vector.shape_cast %swap3A_826 : vector<1x16xf32> to vector<16xf32>
      %swap3A_828 = vector.shape_cast %get3A_823 : vector<16xf32> to vector<1x16xf32>
      tpu.vector_store %arg8[%swap3A_824, %swap3A_825], %swap3A_828 {strides = array<i32>} : memref<256x64xf32, #tpu.memory_space<vmem>>, vector<1x16xf32>,
      %add3A_829 = arith.constant 32 : i32
      %add3A_830 = arith.addi %squeeze3A_802, %add3A_829 : i32
      %get3A_831 = arith.index_cast %add3A_806 : i32 to index
      %get3A_832 = arith.index_cast %add3A_830 : i32 to index
      %get3A_833 = tpu.vector_load %arg7[%get3A_831, %get3A_832] {strides = array<i32>} : memref<256x128xf32, #tpu.memory_space<vmem>>, vector<1x16xf32>,
      %get3A_834 = vector.shape_cast %get3A_833 : vector<1x16xf32> to vector<16xf32>
      %swap3A_835 = arith.index_cast %add3A_806 : i32 to index
      %swap3A_836 = arith.constant 32 : index
      %swap3A_837 = tpu.vector_load %arg8[%swap3A_835, %swap3A_836] {strides = array<i32>} : memref<256x64xf32, #tpu.memory_space<vmem>>, vector<1x16xf32>,
      %swap3A_838 = vector.shape_cast %swap3A_837 : vector<1x16xf32> to vector<16xf32>
      %swap3A_839 = vector.shape_cast %get3A_834 : vector<16xf32> to vector<1x16xf32>
      tpu.vector_store %arg8[%swap3A_835, %swap3A_836], %swap3A_839 {strides = array<i32>} : memref<256x64xf32, #tpu.memory_space<vmem>>, vector<1x16xf32>,
      %add3A_840 = arith.constant 48 : i32
      %add3A_841 = arith.addi %squeeze3A_802, %add3A_840 : i32
      %get3A_842 = arith.index_cast %add3A_806 : i32 to index
      %get3A_843 = arith.index_cast %add3A_841 : i32 to index
      %get3A_844 = tpu.vector_load %arg7[%get3A_842, %get3A_843] {strides = array<i32>} : memref<256x128xf32, #tpu.memory_space<vmem>>, vector<1x16xf32>,
      %get3A_845 = vector.shape_cast %get3A_844 : vector<1x16xf32> to vector<16xf32>
      %swap3A_846 = arith.index_cast %add3A_806 : i32 to index
      %swap3A_847 = arith.constant 48 : index
      %swap3A_848 = tpu.vector_load %arg8[%swap3A_846, %swap3A_847] {strides = array<i32>} : memref<256x64xf32, #tpu.memory_space<vmem>>, vector<1x16xf32>,
      %swap3A_849 = vector.shape_cast %swap3A_848 : vector<1x16xf32> to vector<16xf32>
      %swap3A_850 = vector.shape_cast %get3A_845 : vector<16xf32> to vector<1x16xf32>
      tpu.vector_store %arg8[%swap3A_846, %swap3A_847], %swap3A_850 {strides = array<i32>} : memref<256x64xf32, #tpu.memory_space<vmem>>, vector<1x16xf32>,
    }
    %scan3A_39 = arith.constant 16 : i32
    %add3A_40 = arith.constant 256 : i32
    %add3A_41 = arith.addi %mul3A_2, %add3A_40 : i32
    "tpu.region"() ({
      %run_scoped3A = tpu.sem_alloc : memref<!tpu.dma_semaphore, #tpu.memory_space<semaphore_mem>>
      %dma_start3A_42 = arith.constant 0 : i32
      %dma_start3A_43 = tpu.memref_slice %arg4[%add3A_41, %dma_start3A_42] : memref<16384x64xf32, #tpu.memory_space<hbm>> -> memref<256x64xf32, #tpu.memory_space<hbm>>
      %dma_start3A_44 = arith.constant 0 : i32
      %dma_start3A_45 = tpu.memref_slice %arg4[%add3A_41, %dma_start3A_44] : memref<16384x64xf32, #tpu.memory_space<hbm>> -> memref<256x64xf32, #tpu.memory_space<hbm>>
      tpu.enqueue_dma source(%arg8 : memref<256x64xf32, #tpu.memory_space<vmem>>) target(%dma_start3A_45 : memref<256x64xf32, #tpu.memory_space<hbm>>) target_semaphore(%run_scoped3A : memref<!tpu.dma_semaphore, #tpu.memory_space<semaphore_mem>>)
      %dma_wait3A_46 = arith.constant 0 : i32
      %dma_wait3A_47 = tpu.memref_slice %arg4[%add3A_41, %dma_wait3A_46] : memref<16384x64xf32, #tpu.memory_space<hbm>> -> memref<256x64xf32, #tpu.memory_space<hbm>>
      %dma_wait3A_48 = arith.constant 0 : i32
      %dma_wait3A_49 = tpu.memref_slice %arg4[%add3A_41, %dma_wait3A_48] : memref<16384x64xf32, #tpu.memory_space<hbm>> -> memref<256x64xf32, #tpu.memory_space<hbm>>
      tpu.wait_dma2 semaphore(%run_scoped3A : memref<!tpu.dma_semaphore, #tpu.memory_space<semaphore_mem>>) src(%arg8 : memref<256x64xf32, #tpu.memory_space<vmem>>) dst(%dma_wait3A_49 : memref<256x64xf32, #tpu.memory_space<hbm>>)
      tpu.yield
    }) : () -> ()
    return
  }
}

</mosaic_0001>

<sc_bundles>
// kernel: kernel.3.cloned.1.call-start
scs
__scs_entry_jumppad:
0x0: {  	(pc) =	sbr.rel $0x88, $3  }
0x1: {  	(tag) =	ssettag $0x0;
	lr =	simm.s32 $0x1  }
0x2: {  	[smem:$0x3F9F] =	sst lr;
	_ =	strace $0xD0000000  }
0x3: {  	_ = 	snop  }
0x4: {  	_ = 	snop  }
0x5: {  	_ = 	snop  }
0x6: {  	_ = 	snop  }
0x7: {  	_ = 	snop  }
__scs_overlays_trampoline_lowered:
0x8: {  	[smem:$0x3FAE] =	sst s0  }
0x9: {  	[smem:$0x3FAF] =	sst s1  }
0xa: {  	[smem:$0x3FB0] =	sst s2  }
0xb: {  	[smem:$0x3FB1] =	sst s3  }
0xc: {  	[smem:$0x3FB2] =	sst s4  }
0xd: {  	[smem:$0x3FB3] =	sst s5  }
0xe: {  	[smem:$0x3FB4] =	sst s6  }
0xf: {  	[smem:$0x3FB5] =	sst s7  }
0x10: {  	[smem:$0x3FB6] =	sst s8  }
0x11: {  	[smem:$0x3FB7] =	sst s9;
	s0 =	simm.s32 @!p0 $0x0  }
0x12: {  	s1 =	sld [smem:$0x3F9D];
	s0 =	simm.s32 @p0 $0x1  }
0x13: {  	[smem:$0x3FB8] =	sst s0;
	s0 =	simm.s32 @!p1 $0x0  }
0x14: {  	s2 =	sld [smem:$0x3F9C];
	s0 =	simm.s32 @p1 $0x1  }
0x15: {  	[smem:$0x3FB9] =	sst s0;
	s0 =	simm.s32 @!p2 $0x0  }
0x16: {  	s3 =	sld [smem:$0x3FDB];
	s0 =	simm.s32 @p2 $0x1  }
0x17: {  	s4 =	simm.s32 $0x1BF5;
	[smem:$0x3FBB] =	sst s0  }
0x18: {  	s0 =	sld [smem:$0x3F9E];
	_ =	swait.ge [sflag:s4], $0x0  }
0x19: {  	s7 =	sld [smem:$0x3F9F]  }
0x1a: {  	s8 =	sadd.s32 $0xFFFFE003, lr  }
0x1b: {  	s9 =	sadd.s32 $0xFFFFFEF7, lr;
	s5 =	simm.s32 $0xFFFFFFFF;
	p2 =	slt.u32 s8, $0xFFFFF086  }
0x1c: {  	p1 =	slt.u32 s9, $0xF7A;
	s5 =	simm.s32 @!p2 $0x0  }
0x1d: {  	s5 =	simm.s32 @p1 $0x1;
	p0 =	seq.s32 s7, s2  }
0x1e: {  	s7 =	smul.u32 @!p0 $0xF7A, s2;
	p2 =	seq.s32 @!p0 s5, $0x0  }
0x1f: {  	s9 =	smul.u32 $0xF7A, s1;
	s8 =	simm.s32 @!p0 $0x1BF5;
	p2 =	por !p2, p0  }
0x20: {  	[sflag:s8] =	ssyncset.s32 @!p0 $0xFFFFF086;
	s6 =	sadd.s32 @!p0 s3, s7;
	s7 =	simm.s32 @!p0 $0x108  }
0x21: {  	s3 =	sadd.s32 s3, s9;
	s6 =	sadd.s32 @!p0 $0x88, s6;
	s7 =	simm.s32 @p2 $0x1082  }
0x22: {  	[simem:s7], [sflag:s8] =	dma.local @!p0 [hbm:s6], $0xF7A  }
0x23: {  	s9 =	sor.u32 $0xD0000000, s2;
	s6 =	simm.s32 $0x108;
	_ =	swait.ge @!p0 [sflag:s8], $0x0  }
0x24: {  	s3 =	sadd.s32 $0x88, s3;
	s6 =	simm.s32 @!p1 $0x1082;
	[sflag:s4] =	ssyncset.s32 $0xFFFFF086  }
0x25: {  	[simem:s6], [sflag:s4] =	dma.local [hbm:s3], $0xF7A  }
0x26: {  	[smem:$0x3F9F] =	sst s1;
	(tag) =	ssettag s2;
	_ =	strace s9  }
0x27: {  	s1 =	sld [smem:$0x3FAF]  }
0x28: {  	s2 =	sld [smem:$0x3FB0]  }
0x29: {  	s4 =	sld [smem:$0x3FB2]  }
0x2a: {  	p0 =	seq.s32 s5, $0x0;
	s5 =	sld [smem:$0x3FB3]  }
0x2b: {  	s6 =	sld [smem:$0x3FB4]  }
0x2c: {  	s7 =	sld [smem:$0x3FB5]  }
0x2d: {  	s3 =	simm.s32 $0x108;
	s8 =	sld [smem:$0x3FB6]  }
0x2e: {  	s3 =	simm.s32 @!p0 $0x1082;
	s9 =	sld [smem:$0x3FB7]  }
0x2f: {  	lr =	sadd.s32 s0, s3;
	s0 =	sld [smem:$0x3FAE]  }
0x30: {  	s3 =	sld [smem:$0x3FB1]  }
0x31: {  	[smem:$0x3FBA] =	sst s10  }
0x32: {  	s10 =	sld [smem:$0x3FB8];
	_ =	sdelay $0x3  }
0x33: {  	p0 =	seq.s32 s10, $0x1;
	s10 =	sld [smem:$0x3FBA];
	_ =	sdelay $0x3  }
0x34: {  	[smem:$0x3FBA] =	sst s10  }
0x35: {  	s10 =	sld [smem:$0x3FB9];
	_ =	sdelay $0x3  }
0x36: {  	p1 =	seq.s32 s10, $0x1;
	s10 =	sld [smem:$0x3FBA];
	_ =	sdelay $0x3  }
0x37: {  	[smem:$0x3FBA] =	sst s10  }
0x38: {  	s10 =	sld [smem:$0x3FBB]  }
0x39: {  	_ = 	snop;
	(pc) =	sbr.ind lr, $3  }
0x3a: {  	_ = 	snop  }
0x3b: {  	_ = 	snop  }
0x3c: {  	p2 =	seq.s32 s10, $0x1;
	s10 =	sld [smem:$0x3FBA]  }
0x3d: {  	_ =	shalt  }
0x3e: {  	_ =	shalt  }
0x3f: {  	_ =	shalt  }
0x40: {  	_ =	shalt  }
0x41: {  	_ =	shalt  }
0x42: {  	_ =	shalt  }
0x43: {  	_ =	shalt  }
0x44: {  	_ =	shalt  }
0x45: {  	_ =	shalt  }
0x46: {  	_ =	shalt  }
0x47: {  	_ =	shalt  }
0x48: {  	_ =	shalt  }
0x49: {  	_ =	shalt  }
0x4a: {  	_ =	shalt  }
0x4b: {  	_ =	shalt  }
0x4c: {  	_ =	shalt  }
0x4d: {  	_ =	shalt  }
0x4e: {  	_ =	shalt  }
0x4f: {  	_ =	shalt  }
0x50: {  	_ =	shalt  }
0x51: {  	_ =	shalt  }
0x52: {  	_ =	shalt  }
0x53: {  	_ =	shalt  }
0x54: {  	_ =	shalt  }
0x55: {  	_ =	shalt  }
0x56: {  	_ =	shalt  }
0x57: {  	_ =	shalt  }
0x58: {  	_ =	shalt  }
0x59: {  	_ =	shalt  }
0x5a: {  	_ =	shalt  }
0x5b: {  	_ =	shalt  }
0x5c: {  	_ =	shalt  }
0x5d: {  	_ =	shalt  }
0x5e: {  	_ =	shalt  }
0x5f: {  	_ =	shalt  }
0x60: {  	_ =	shalt  }
0x61: {  	_ =	shalt  }
0x62: {  	_ =	shalt  }
0x63: {  	_ =	shalt  }
0x64: {  	_ =	shalt  }
0x65: {  	_ =	shalt  }
0x66: {  	_ =	shalt  }
0x67: {  	_ =	shalt  }
0x68: {  	_ =	shalt  }
0x69: {  	_ =	shalt  }
0x6a: {  	_ =	shalt  }
0x6b: {  	_ =	shalt  }
0x6c: {  	_ =	shalt  }
0x6d: {  	_ =	shalt  }
0x6e: {  	_ =	shalt  }
0x6f: {  	_ =	shalt  }
0x70: {  	_ =	shalt  }
0x71: {  	_ =	shalt  }
0x72: {  	_ =	shalt  }
0x73: {  	_ =	shalt  }
0x74: {  	_ =	shalt  }
0x75: {  	_ =	shalt  }
0x76: {  	_ =	shalt  }
0x77: {  	_ =	shalt  }
0x78: {  	_ =	shalt  }
0x79: {  	_ =	shalt  }
0x7a: {  	_ =	shalt  }
0x7b: {  	_ =	shalt  }
0x7c: {  	_ =	shalt  }
0x7d: {  	_ =	shalt  }
0x7e: {  	_ =	shalt  }
0x7f: {  	_ =	shalt  }
0x80: {  	_ =	shalt  }
0x81: {  	_ =	shalt  }
0x82: {  	_ =	shalt  }
0x83: {  	_ =	shalt  }
0x84: {  	_ =	shalt  }
0x85: {  	_ =	shalt  }
0x86: {  	_ =	shalt  }
0x87: {  	_ =	shalt  }
.Lfunc_end0:
.L_simem_size_0:
called_computation_lowered:
.L_overlay_start_0:
0x88: {  	s2 =	sld [smem:$0x3FD9]  }
0x89: {  	s3 =	sld [smem:$0x3FFE];
	_ =	sdelay $0x1  }
0x8a: {  	s1 =	srdreg.scid  }
0x8b: {  	s0 =	sand.u32 $0x1, s1  }
0x8c: {  	s17 =	sshll.u32 s0, $0xA;
	s2 =	sadd.s32 s3, s2  }
0x8d: {  	s2 =	sadd.s32 s2, s17  }
0x8e: {  	[smem:$0x3FC6] =	sst s2  }
0x8f: {  	_ = 	snop  }
0x90: {  	s2 =	sld [smem:$0x3FC9];
	(tm) =	ssettm $0x1  }
0x91: {  	s18 =	sld [smem:$0x3FFB];
	_ =	sdelay $0x3  }
0x92: {  	_ =	strace s18  }
0x93: {  	s3 =	sld [smem:$0x3FFC];
	_ =	sdelay $0x3  }
0x94: {  	_ =	strace s3  }
0x95: {  	s3 =	sld [smem:$0x3FFD];
	_ =	sdelay $0x3  }
0x96: {  	_ =	strace s3  }
0x97: {  	_ =	strace $0x8FFFFFFF  }
0x98: {  	s19 =	sld [smem:$0x3FDB];
	_ =	sdelay $0x1  }
0x99: {  	s4 =	simm.s32 $_scs_section_size  }
0x9a: {  	s5 =	simm.s32 $_size__tile_overlayer_lowered;
	s6 =	simm.s32 $_tile_overlayer_lowered  }
0x9b: {  	s22 =	simm.s32 $0x1BFF;
	s21 =	sshll.u32 s6, $0x1;
	s3 =	sadd.s32 s4, s19  }
0x9c: {  	s7 =	simm.s32 $0x0;
	s20 =	sshll.u32 s5, $0x1;
	s5 =	sadd.s32 s21, s3  }
0x9d: {  	[timem:s7], [sflag:s22] =	dma.local [hbm:s5], s20  }
0x9e: {  	_ =	swait.ge [sflag:s22], s20  }
0x9f: {  	s4 =	ssub.s32 $0x0, s20;
	[sflag:s22] =	ssyncset.done $0x0  }
0xa0: {  	[sflag:s22] =	ssyncadd.s32 s4;
	_ =	sdelay $0x1  }
0xa1: {  	s23 =	simm.s32 $0x1B8B  }
0xa2: {  	_ =	swait.ge [sflag:s23], $0x1  }
0xa3: {  	[sflag:s23] =	ssyncset.done $0x0  }
0xa4: {  	s25 =	simm.s32 $0x1B8E;
	s24 =	sld [smem:$0x3FFE];
	[sflag:s23] =	ssyncadd.s32 $0xFFFFFFFF  }
0xa5: {  	s26 =	simm.s32 $execute0_lowered;
	[smem:$0x3FD2] =	sst s25  }
0xa6: {  	s5 =	sshll.u32 s26, $0x1;
	_ =	strace $0x80000046;
	[dreg:$0x1] =	wrdreg $0xFFFFFFFF  }
0xa7: {  	s28 =	simm.s32 $_size_execute0_lowered;
	s3 =	sadd.s32 s3, s5;
	[dreg:$0x0] =	wrdreg $0x0  }
0xa8: {  	s5 =	sshll.u32 s28, $0x1;
	[dreg:$0x2] =	wrdreg s3  }
0xa9: {  	[dreg:$0x3] =	wrdreg s5  }
0xaa: {  	[dreg:$0x4] =	wrdreg $0xC0  }
0xab: {  	_ =	task [dreg:s7], $0x5FFFF  }
0xac: {  	[dreg:$0x1] =	wrdreg $0xFFFFFFFF  }
0xad: {  	[dreg:$0x0] =	wrdreg $0x60  }
0xae: {  	[dreg:$0x2] =	wrdreg s2  }
0xaf: {  	[dreg:$0x3] =	wrdreg s24  }
0xb0: {  	[dreg:$0x4] =	wrdreg $0x9  }
0xb1: {  	_ =	task.clear_ibuf [dreg:s7], $0x5FFFF;
	_ =	strace $0x90000046  }
0xb2: {  	s29 =	simm.s32 $0x9;
	_ =	strace $0x80000048  }
0xb3: {  	_ =	swait.ge [sflag:s29], $0x1  }
0xb4: {  	[sflag:s29] =	ssyncadd.s32 $0xFFFFFFFF  }
0xb5: {  	_ =	strace $0x90000048  }
0xb6: {  	_ =	sfence  }
0xb7: {  	s30 =	sld [smem:$0x0];
	_ =	sdelay $0x2  }
0xb8: {  	s31 =	sshll.u32 s1, $0xD;
	s1 =	sshrl.u32 s1, $0x2  }
0xb9: {  	s3 =	sand.u32 $0x4000, s31;
	s1 =	sadd.s32 s1, s30  }
0xba: {  	s0 =	sor.u32 s3, s0;
	s1 =	sshll.u32 s1, $0x11  }
0xbb: {  	s0 =	sor.u32 s1, s0  }
0xbc: {  	s0 =	sadd.s32 $0x8F2B, s0  }
0xbd: {  	[sflag:s0] =	ssyncadd.remote.s32 $0x1  }
0xbe: {  	_ =	sfence.sel $0xFFFF  }
0xbf: {  	[dreg:$0x0] =	wrdreg $0xFFFFFFFF;
	(pc) =	sbr.abs _section_cstart, $3  }
0xc0: {  	[dreg:$0x1] =	wrdreg $0xFFFFFFFF  }
0xc1: {  	_ =	task.clear_ibuf [dreg:s7], $0x2FFFF;
	_ =	strace $0x9FFFFFFF  }
0xc2: {  	(tm) =	ssettm $0x7FFFFFFF  }
0xc3: {  	_ =	shalt  }
tec
execute0_lowered:
.L_overlay_start_1:
0x0: {  	(tag) =	ssettag $0x1  }
0x1: {  	s4 =	rddreg [dreg:$0x0]  }
0x2: {  	s5 =	rddreg [dreg:$0x1]  }
0x3: {  	s0 =	rddreg [dreg:$0x2];
	s3 =	srdreg.scid  }
0x4: {  	s2 =	simm.s32 $0x0;
	s1 =	stileid.u32;
	s10 =	simm.s32 $0x200  }
0x5: {  	s11 =	simm.s32 $0x400;
	s12 =	simm.s32 $0x1;
	s13 =	simm.s32 $0x8400  }
0x6: {  	s14 =	simm.s32 $0x300;
	s15 =	simm.s32 $0x0;
	s3 =	sand.u32 $0x1, s3  }
0x7: {  	[smem:$0x7FF] =	sst s2;
	s6 =	sshll.u32 s1, $0xA;
	s7 =	sshll.u32 s3, $0x9  }
0x8: {  	_ =	strace $0x80000047;
	s30 =	ssub.s32 $0x2, s3;
	s6 =	sor.u32 s7, s6  }
0x9: {  	s3 =	sadd.s32 $0xF42800, s5;
	s9 =	sshrl.u32 s30, $0x1;
	s8 =	sshll.u32 s6, $0x4  }
0xa: {  	s7 =	ssub.s32 s30, s9;
	s31 =	sshrl.u32 s6, $0x3;
	s9 =	simm.s32 $0x100  }
0xb: {  	s8 =	sadd.s32 s8, s5;
	s4 =	sadd.s32 s4, s31;
	s7 =	smax.u32 s7, $0x1  }
0xc: {  	s5 =	sadd.s32 $0x400, s8;
	s6 =	sadd.s32 $0x1400, s8;
	s8 =	simm.s32 $0x2  }
.LBB2_1:
0xd: {  	[tilespmem:s2], [sflag:$0x2] =	stream.linear.gather [hbm4b:s4+s2], $0x200, $0x38;
	[tilespmem:$0x10400] =	vst v63  }
0xe: {  	_ =	swait.ge [sflag:s8], $0x200  }
0xf: {  	[sflag:s8] =	ssyncset.done $0x0  }
0x10: {  	[sflag:s8] =	ssyncadd.s32 $0xFFFFFE00  }
0x11: {  	v0 =	vld [tilespmem:$0x0]  }
0x12: {  	v1 =	vld [tilespmem:$0x10]  }
0x13: {  	v2 =	vld [tilespmem:$0x20]  }
0x14: {  	v3 =	vld [tilespmem:$0x30]  }
0x15: {  	v4 =	vld [tilespmem:$0x40]  }
0x16: {  	v5 =	vld [tilespmem:$0x50];
	v0 =	vshra.s32 v0, $0x1  }
0x17: {  	v8 =	vld [tilespmem:$0x60];
	v7 =	vshra.s32 v1, $0x1;
	[tilespmem:$0x200] =	vst v0  }
0x18: {  	v10 =	vld [tilespmem:$0x70];
	v9 =	vshra.s32 v2, $0x1;
	[tilespmem:$0x210] =	vst v7  }
0x19: {  	v12 =	vld [tilespmem:$0x80];
	v11 =	vshra.s32 v3, $0x1;
	[tilespmem:$0x220] =	vst v9  }
0x1a: {  	v14 =	vld [tilespmem:$0x90];
	v13 =	vshra.s32 v4, $0x1;
	[tilespmem:$0x230] =	vst v11  }
0x1b: {  	v16 =	vld [tilespmem:$0xA0];
	v15 =	vshra.s32 v5, $0x1;
	[tilespmem:$0x240] =	vst v13  }
0x1c: {  	v18 =	vld [tilespmem:$0xB0];
	v17 =	vshra.s32 v8, $0x1;
	[tilespmem:$0x250] =	vst v15  }
0x1d: {  	v20 =	vld [tilespmem:$0xC0];
	v19 =	vshra.s32 v10, $0x1;
	[tilespmem:$0x260] =	vst v17  }
0x1e: {  	v22 =	vld [tilespmem:$0xD0];
	v21 =	vshra.s32 v12, $0x1;
	[tilespmem:$0x270] =	vst v19  }
0x1f: {  	v24 =	vld [tilespmem:$0xE0];
	v23 =	vshra.s32 v14, $0x1;
	[tilespmem:$0x280] =	vst v21  }
0x20: {  	v26 =	vld [tilespmem:$0xF0];
	v25 =	vshra.s32 v16, $0x1;
	[tilespmem:$0x290] =	vst v23  }
0x21: {  	v28 =	vld [tilespmem:$0x100];
	v27 =	vshra.s32 v18, $0x1;
	[tilespmem:$0x2A0] =	vst v25  }
0x22: {  	v30 =	vld [tilespmem:$0x110];
	v29 =	vshra.s32 v20, $0x1;
	[tilespmem:$0x2B0] =	vst v27  }
0x23: {  	v32 =	vld [tilespmem:$0x120];
	v31 =	vshra.s32 v22, $0x1;
	[tilespmem:$0x2C0] =	vst v29  }
0x24: {  	v34 =	vld [tilespmem:$0x130];
	v33 =	vshra.s32 v24, $0x1;
	[tilespmem:$0x2D0] =	vst v31  }
0x25: {  	v36 =	vld [tilespmem:$0x140];
	v35 =	vshra.s32 v26, $0x1;
	[tilespmem:$0x2E0] =	vst v33  }
0x26: {  	v38 =	vld [tilespmem:$0x150];
	v37 =	vshra.s32 v28, $0x1;
	[tilespmem:$0x2F0] =	vst v35  }
0x27: {  	v40 =	vld [tilespmem:$0x160];
	v39 =	vshra.s32 v30, $0x1;
	[tilespmem:$0x300] =	vst v37  }
0x28: {  	v42 =	vld [tilespmem:$0x170];
	v41 =	vshra.s32 v32, $0x1;
	[tilespmem:$0x310] =	vst v39  }
0x29: {  	v44 =	vld [tilespmem:$0x180];
	v43 =	vshra.s32 v34, $0x1;
	[tilespmem:$0x320] =	vst v41  }
0x2a: {  	v46 =	vld [tilespmem:$0x190];
	v45 =	vshra.s32 v36, $0x1;
	[tilespmem:$0x330] =	vst v43  }
0x2b: {  	v48 =	vld [tilespmem:$0x1A0];
	v47 =	vshra.s32 v38, $0x1;
	[tilespmem:$0x340] =	vst v45  }
0x2c: {  	v50 =	vld [tilespmem:$0x1B0];
	v49 =	vshra.s32 v40, $0x1;
	[tilespmem:$0x350] =	vst v47  }
0x2d: {  	v52 =	vld [tilespmem:$0x1C0];
	v51 =	vshra.s32 v42, $0x1;
	[tilespmem:$0x360] =	vst v49  }
0x2e: {  	v54 =	vld [tilespmem:$0x1D0];
	v53 =	vshra.s32 v44, $0x1;
	[tilespmem:$0x370] =	vst v51  }
0x2f: {  	v56 =	vld [tilespmem:$0x1E0];
	v55 =	vshra.s32 v46, $0x1;
	[tilespmem:$0x380] =	vst v53  }
0x30: {  	v58 =	vld [tilespmem:$0x1F0];
	v57 =	vshra.s32 v48, $0x1;
	[tilespmem:$0x390] =	vst v55  }
0x31: {  	v59 =	vshra.s32 v50, $0x1;
	[tilespmem:$0x3A0] =	vst v57  }
0x32: {  	v60 =	vshra.s32 v52, $0x1;
	[tilespmem:$0x3B0] =	vst v59  }
0x33: {  	v61 =	vshra.s32 v54, $0x1;
	[tilespmem:$0x3C0] =	vst v60  }
0x34: {  	v62 =	vshra.s32 v56, $0x1;
	[tilespmem:$0x3D0] =	vst v61  }
0x35: {  	v63 =	vshra.s32 v58, $0x1;
	[tilespmem:$0x3E0] =	vst v62  }
0x36: {  	[tilespmem:$0x3F0] =	vst v63  }
0x37: {  	[tilespmem:s11], [sflag:$0x1] =	stream.indirect.gather [hbm4b:s3+s9], $0x80, s10, s9, $0xb8;
	[tilespmem:$0x10400] =	vst v63  }
0x38: {  	_ =	swait.ge [sflag:s12], $0x8000  }
0x39: {  	[sflag:s12] =	ssyncset.done $0x0  }
0x3a: {  	s16 =	simm.s32 $0x0;
	s17 =	simm.s32 $0x0;
	[sflag:s12] =	ssyncadd.s32 $0xFFFF8000  }
.LBB2_2:
0x3b: {  	v0 =	vld [tilespmem:s16+$0x0];
	_ =	sdelay $0x4  }
0x3c: {  	v0 =	vshll.u32 v0, $0x6  }
0x3d: {  	s18 =	sshra.s32 s17, $0x2;
	v0 =	vand.u32 $0x40, v0  }
0x3e: {  	v0 =	vadd.s32 s18, v0  }
0x3f: {  	(v2sf) =	vpush v0, $0x1  }
0x40: {  	(v2sf) =	vpush v0, $0x0;
	_ =	sdelay $0xd  }
0x41: {  	s19 =	spop (v2sf)  }
0x42: {  	s20 =	spop (v2sf)  }
0x43: {  	v1 =	vld [tilespmem:s20+$0x400];
	_ =	sdelay $0x4  }
0x44: {  	[tilespmem:s18+$0x8400] =	vst v1  }
0x45: {  	v1 =	vld [tilespmem:s20+$0x410];
	_ =	sdelay $0x4  }
0x46: {  	[tilespmem:s18+$0x8410] =	vst v1  }
0x47: {  	v1 =	vld [tilespmem:s20+$0x420];
	_ =	sdelay $0x4  }
0x48: {  	[tilespmem:s18+$0x8420] =	vst v1  }
0x49: {  	v1 =	vld [tilespmem:s20+$0x430];
	_ =	sdelay $0x4  }
0x4a: {  	[tilespmem:s18+$0x8430] =	vst v1  }
0x4b: {  	v1 =	vld [tilespmem:s19+$0x480];
	_ =	sdelay $0x4  }
0x4c: {  	[tilespmem:s18+$0x8480] =	vst v1  }
0x4d: {  	v1 =	vld [tilespmem:s19+$0x490]  }
0x4e: {  	(v2sf) =	vpush v0, $0x3  }
0x4f: {  	(v2sf) =	vpush v0, $0x2;
	_ =	sdelay $0x2  }
0x50: {  	[tilespmem:s18+$0x8490] =	vst v1  }
0x51: {  	v1 =	vld [tilespmem:s19+$0x4A0];
	_ =	sdelay $0x4  }
0x52: {  	[tilespmem:s18+$0x84A0] =	vst v1  }
0x53: {  	v1 =	vld [tilespmem:s19+$0x4B0];
	_ =	sdelay $0x3  }
0x54: {  	s28 =	spop (v2sf)  }
0x55: {  	s29 =	spop (v2sf);
	[tilespmem:s18+$0x84B0] =	vst v1  }
0x56: {  	v1 =	vld [tilespmem:s29+$0x500];
	_ =	sdelay $0x4  }
0x57: {  	[tilespmem:s18+$0x8500] =	vst v1  }
0x58: {  	v1 =	vld [tilespmem:s29+$0x510];
	_ =	sdelay $0x4  }
0x59: {  	[tilespmem:s18+$0x8510] =	vst v1  }
0x5a: {  	v1 =	vld [tilespmem:s29+$0x520];
	_ =	sdelay $0x4  }
0x5b: {  	[tilespmem:s18+$0x8520] =	vst v1  }
0x5c: {  	v1 =	vld [tilespmem:s29+$0x530];
	_ =	sdelay $0x4  }
0x5d: {  	[tilespmem:s18+$0x8530] =	vst v1  }
0x5e: {  	v1 =	vld [tilespmem:s28+$0x580];
	_ =	sdelay $0x4  }
0x5f: {  	[tilespmem:s18+$0x8580] =	vst v1  }
0x60: {  	v1 =	vld [tilespmem:s28+$0x590]  }
0x61: {  	(v2sf) =	vpush v0, $0x5  }
0x62: {  	(v2sf) =	vpush v0, $0x4;
	_ =	sdelay $0x2  }
0x63: {  	[tilespmem:s18+$0x8590] =	vst v1  }
0x64: {  	v1 =	vld [tilespmem:s28+$0x5A0];
	_ =	sdelay $0x4  }
0x65: {  	[tilespmem:s18+$0x85A0] =	vst v1  }
0x66: {  	v1 =	vld [tilespmem:s28+$0x5B0];
	_ =	sdelay $0x3  }
0x67: {  	s30 =	spop (v2sf)  }
0x68: {  	s31 =	spop (v2sf);
	[tilespmem:s18+$0x85B0] =	vst v1  }
0x69: {  	v1 =	vld [tilespmem:s31+$0x600];
	_ =	sdelay $0x4  }
0x6a: {  	[tilespmem:s18+$0x8600] =	vst v1  }
0x6b: {  	v1 =	vld [tilespmem:s31+$0x610];
	_ =	sdelay $0x4  }
0x6c: {  	[tilespmem:s18+$0x8610] =	vst v1  }
0x6d: {  	v1 =	vld [tilespmem:s31+$0x620];
	_ =	sdelay $0x4  }
0x6e: {  	[tilespmem:s18+$0x8620] =	vst v1  }
0x6f: {  	v1 =	vld [tilespmem:s31+$0x630];
	_ =	sdelay $0x4  }
0x70: {  	[tilespmem:s18+$0x8630] =	vst v1  }
0x71: {  	v1 =	vld [tilespmem:s30+$0x680];
	_ =	sdelay $0x4  }
0x72: {  	[tilespmem:s18+$0x8680] =	vst v1  }
0x73: {  	v1 =	vld [tilespmem:s30+$0x690]  }
0x74: {  	(v2sf) =	vpush v0, $0x7  }
0x75: {  	(v2sf) =	vpush v0, $0x6;
	_ =	sdelay $0x2  }
0x76: {  	[tilespmem:s18+$0x8690] =	vst v1  }
0x77: {  	v1 =	vld [tilespmem:s30+$0x6A0];
	_ =	sdelay $0x4  }
0x78: {  	[tilespmem:s18+$0x86A0] =	vst v1  }
0x79: {  	v1 =	vld [tilespmem:s30+$0x6B0];
	_ =	sdelay $0x3  }
0x7a: {  	s21 =	spop (v2sf)  }
0x7b: {  	s22 =	spop (v2sf);
	[tilespmem:s18+$0x86B0] =	vst v1  }
0x7c: {  	v1 =	vld [tilespmem:s22+$0x700];
	_ =	sdelay $0x4  }
0x7d: {  	[tilespmem:s18+$0x8700] =	vst v1  }
0x7e: {  	v1 =	vld [tilespmem:s22+$0x710];
	_ =	sdelay $0x4  }
0x7f: {  	[tilespmem:s18+$0x8710] =	vst v1  }
0x80: {  	v1 =	vld [tilespmem:s22+$0x720];
	_ =	sdelay $0x4  }
0x81: {  	[tilespmem:s18+$0x8720] =	vst v1  }
0x82: {  	v1 =	vld [tilespmem:s22+$0x730];
	_ =	sdelay $0x4  }
0x83: {  	[tilespmem:s18+$0x8730] =	vst v1  }
0x84: {  	v1 =	vld [tilespmem:s21+$0x780];
	_ =	sdelay $0x4  }
0x85: {  	[tilespmem:s18+$0x8780] =	vst v1  }
0x86: {  	v1 =	vld [tilespmem:s21+$0x790]  }
0x87: {  	(v2sf) =	vpush v0, $0x9  }
0x88: {  	(v2sf) =	vpush v0, $0x8;
	_ =	sdelay $0x2  }
0x89: {  	[tilespmem:s18+$0x8790] =	vst v1  }
0x8a: {  	v1 =	vld [tilespmem:s21+$0x7A0];
	_ =	sdelay $0x4  }
0x8b: {  	[tilespmem:s18+$0x87A0] =	vst v1  }
0x8c: {  	v1 =	vld [tilespmem:s21+$0x7B0];
	_ =	sdelay $0x3  }
0x8d: {  	s23 =	spop (v2sf)  }
0x8e: {  	s24 =	spop (v2sf);
	[tilespmem:s18+$0x87B0] =	vst v1  }
0x8f: {  	v1 =	vld [tilespmem:s24+$0x800];
	_ =	sdelay $0x4  }
0x90: {  	[tilespmem:s18+$0x8800] =	vst v1  }
0x91: {  	v1 =	vld [tilespmem:s24+$0x810];
	_ =	sdelay $0x4  }
0x92: {  	[tilespmem:s18+$0x8810] =	vst v1  }
0x93: {  	v1 =	vld [tilespmem:s24+$0x820];
	_ =	sdelay $0x4  }
0x94: {  	[tilespmem:s18+$0x8820] =	vst v1  }
0x95: {  	v1 =	vld [tilespmem:s24+$0x830];
	_ =	sdelay $0x4  }
0x96: {  	[tilespmem:s18+$0x8830] =	vst v1  }
0x97: {  	v1 =	vld [tilespmem:s23+$0x880];
	_ =	sdelay $0x4  }
0x98: {  	[tilespmem:s18+$0x8880] =	vst v1  }
0x99: {  	v1 =	vld [tilespmem:s23+$0x890]  }
0x9a: {  	(v2sf) =	vpush v0, $0xB  }
0x9b: {  	(v2sf) =	vpush v0, $0xA;
	_ =	sdelay $0x2  }
0x9c: {  	[tilespmem:s18+$0x8890] =	vst v1  }
0x9d: {  	v1 =	vld [tilespmem:s23+$0x8A0];
	_ =	sdelay $0x4  }
0x9e: {  	[tilespmem:s18+$0x88A0] =	vst v1  }
0x9f: {  	v1 =	vld [tilespmem:s23+$0x8B0];
	_ =	sdelay $0x3  }
0xa0: {  	s25 =	spop (v2sf)  }
0xa1: {  	s26 =	spop (v2sf);
	[tilespmem:s18+$0x88B0] =	vst v1  }
0xa2: {  	v1 =	vld [tilespmem:s26+$0x900];
	_ =	sdelay $0x4  }
0xa3: {  	[tilespmem:s18+$0x8900] =	vst v1  }
0xa4: {  	v1 =	vld [tilespmem:s26+$0x910];
	_ =	sdelay $0x4  }
0xa5: {  	[tilespmem:s18+$0x8910] =	vst v1  }
0xa6: {  	v1 =	vld [tilespmem:s26+$0x920];
	_ =	sdelay $0x4  }
0xa7: {  	[tilespmem:s18+$0x8920] =	vst v1  }
0xa8: {  	v1 =	vld [tilespmem:s26+$0x930];
	_ =	sdelay $0x4  }
0xa9: {  	[tilespmem:s18+$0x8930] =	vst v1  }
0xaa: {  	v1 =	vld [tilespmem:s25+$0x980];
	_ =	sdelay $0x4  }
0xab: {  	[tilespmem:s18+$0x8980] =	vst v1  }
0xac: {  	v1 =	vld [tilespmem:s25+$0x990]  }
0xad: {  	(v2sf) =	vpush v0, $0xD  }
0xae: {  	(v2sf) =	vpush v0, $0xC;
	_ =	sdelay $0x2  }
0xaf: {  	[tilespmem:s18+$0x8990] =	vst v1  }
0xb0: {  	v1 =	vld [tilespmem:s25+$0x9A0];
	_ =	sdelay $0x4  }
0xb1: {  	[tilespmem:s18+$0x89A0] =	vst v1  }
0xb2: {  	v1 =	vld [tilespmem:s25+$0x9B0];
	_ =	sdelay $0x3  }
0xb3: {  	s28 =	spop (v2sf)  }
0xb4: {  	s29 =	spop (v2sf);
	[tilespmem:s18+$0x89B0] =	vst v1  }
0xb5: {  	v1 =	vld [tilespmem:s29+$0xA00];
	_ =	sdelay $0x4  }
0xb6: {  	[tilespmem:s18+$0x8A00] =	vst v1  }
0xb7: {  	v1 =	vld [tilespmem:s29+$0xA10];
	_ =	sdelay $0x4  }
0xb8: {  	[tilespmem:s18+$0x8A10] =	vst v1  }
0xb9: {  	v1 =	vld [tilespmem:s29+$0xA20];
	_ =	sdelay $0x4  }
0xba: {  	[tilespmem:s18+$0x8A20] =	vst v1  }
0xbb: {  	v1 =	vld [tilespmem:s29+$0xA30];
	_ =	sdelay $0x4  }
0xbc: {  	[tilespmem:s18+$0x8A30] =	vst v1  }
0xbd: {  	v1 =	vld [tilespmem:s28+$0xA80];
	_ =	sdelay $0x4  }
0xbe: {  	[tilespmem:s18+$0x8A80] =	vst v1  }
0xbf: {  	v1 =	vld [tilespmem:s28+$0xA90]  }
0xc0: {  	(v2sf) =	vpush v0, $0xF  }
0xc1: {  	(v2sf) =	vpush v0, $0xE;
	_ =	sdelay $0x2  }
0xc2: {  	[tilespmem:s18+$0x8A90] =	vst v1  }
0xc3: {  	v63 =	vld [tilespmem:s28+$0xAA0];
	_ =	sdelay $0x4  }
0xc4: {  	[tilespmem:s18+$0x8AA0] =	vst v63  }
0xc5: {  	v0 =	vld [tilespmem:s28+$0xAB0];
	_ =	sdelay $0x3  }
0xc6: {  	s30 =	spop (v2sf)  }
0xc7: {  	s31 =	spop (v2sf);
	[tilespmem:s18+$0x8AB0] =	vst v0  }
0xc8: {  	v0 =	vld [tilespmem:s31+$0xB00];
	_ =	sdelay $0x4  }
0xc9: {  	[tilespmem:s18+$0x8B00] =	vst v0  }
0xca: {  	v0 =	vld [tilespmem:s31+$0xB10];
	_ =	sdelay $0x4  }
0xcb: {  	[tilespmem:s18+$0x8B10] =	vst v0  }
0xcc: {  	v0 =	vld [tilespmem:s31+$0xB20];
	_ =	sdelay $0x4  }
0xcd: {  	[tilespmem:s18+$0x8B20] =	vst v0  }
0xce: {  	v0 =	vld [tilespmem:s31+$0xB30];
	_ =	sdelay $0x4  }
0xcf: {  	[tilespmem:s18+$0x8B30] =	vst v0  }
0xd0: {  	v0 =	vld [tilespmem:s30+$0xB80];
	_ =	sdelay $0x4  }
0xd1: {  	[tilespmem:s18+$0x8B80] =	vst v0  }
0xd2: {  	v0 =	vld [tilespmem:s30+$0xB90];
	_ =	sdelay $0x4  }
0xd3: {  	[tilespmem:s18+$0x8B90] =	vst v0  }
0xd4: {  	v0 =	vld [tilespmem:s30+$0xBA0];
	_ =	sdelay $0x4  }
0xd5: {  	[tilespmem:s18+$0x8BA0] =	vst v0  }
0xd6: {  	p0 =	sne.s32 s17, $0x1E000;
	v0 =	vld [tilespmem:s30+$0xBB0]  }
.Ltmp0:
0xd7: {  	_ = 	snop;
	(pc) =	sbr.rel @p0 .LBB2_2-.Ltmp0, $2  }
0xd8: {  	_ =	sdelay $0x2  }
0xd9: {  	s16 =	sadd.s32 $0x10, s16;
	s17 =	sadd.s32 $0x2000, s17;
	[tilespmem:s18+$0x8BB0] =	vst v0  }
0xda: {  	s16 =	simm.s32 $0x0  }
0xdb: {  	[hbm4b:s5+s16] =	stream.linear.scatter [tilespmem:s13], [sflag:$0x2], $0x8000, $0x38;
	[tilespmem:$0x10400] =	vst v63  }
0xdc: {  	_ =	swait.ge [sflag:s8], $0x8000  }
0xdd: {  	[sflag:s8] =	ssyncset.done $0x0  }
0xde: {  	[sflag:s8] =	ssyncadd.s32 $0xFFFF8000  }
0xdf: {  	[tilespmem:s11], [sflag:$0x1] =	stream.indirect.gather [hbm4b:s3+s9], $0x80, s14, s9, $0xb8;
	[tilespmem:$0x10400] =	vst v63  }
0xe0: {  	_ =	swait.ge [sflag:s12], $0x8000  }
0xe1: {  	[sflag:s12] =	ssyncset.done $0x0  }
0xe2: {  	s17 =	simm.s32 $0x0;
	[sflag:s12] =	ssyncadd.s32 $0xFFFF8000  }
.LBB2_4:
0xe3: {  	s18 =	sand.u32 $0xF0, s16  }
0xe4: {  	v0 =	vld [tilespmem:s18+$0x100];
	_ =	sdelay $0x4  }
0xe5: {  	v0 =	vshll.u32 v0, $0x6  }
0xe6: {  	s18 =	sshra.s32 s17, $0x2;
	v0 =	vand.u32 $0x40, v0  }
0xe7: {  	v0 =	vadd.s32 s18, v0  }
0xe8: {  	(v2sf) =	vpush v0, $0x1  }
0xe9: {  	(v2sf) =	vpush v0, $0x0;
	_ =	sdelay $0xd  }
0xea: {  	s19 =	spop (v2sf)  }
0xeb: {  	s20 =	spop (v2sf)  }
0xec: {  	v1 =	vld [tilespmem:s20+$0x400];
	_ =	sdelay $0x4  }
0xed: {  	[tilespmem:s18+$0x8400] =	vst v1  }
0xee: {  	v1 =	vld [tilespmem:s20+$0x410];
	_ =	sdelay $0x4  }
0xef: {  	[tilespmem:s18+$0x8410] =	vst v1  }
0xf0: {  	v1 =	vld [tilespmem:s20+$0x420];
	_ =	sdelay $0x4  }
0xf1: {  	[tilespmem:s18+$0x8420] =	vst v1  }
0xf2: {  	v1 =	vld [tilespmem:s20+$0x430];
	_ =	sdelay $0x4  }
0xf3: {  	[tilespmem:s18+$0x8430] =	vst v1  }
0xf4: {  	v1 =	vld [tilespmem:s19+$0x480];
	_ =	sdelay $0x4  }
0xf5: {  	[tilespmem:s18+$0x8480] =	vst v1  }
0xf6: {  	v1 =	vld [tilespmem:s19+$0x490]  }
0xf7: {  	(v2sf) =	vpush v0, $0x3  }
0xf8: {  	(v2sf) =	vpush v0, $0x2;
	_ =	sdelay $0x2  }
0xf9: {  	[tilespmem:s18+$0x8490] =	vst v1  }
0xfa: {  	v1 =	vld [tilespmem:s19+$0x4A0];
	_ =	sdelay $0x4  }
0xfb: {  	[tilespmem:s18+$0x84A0] =	vst v1  }
0xfc: {  	v1 =	vld [tilespmem:s19+$0x4B0];
	_ =	sdelay $0x3  }
0xfd: {  	s28 =	spop (v2sf)  }
0xfe: {  	s29 =	spop (v2sf);
	[tilespmem:s18+$0x84B0] =	vst v1  }
0xff: {  	v1 =	vld [tilespmem:s29+$0x500];
	_ =	sdelay $0x4  }
0x100: {  	[tilespmem:s18+$0x8500] =	vst v1  }
0x101: {  	v1 =	vld [tilespmem:s29+$0x510];
	_ =	sdelay $0x4  }
0x102: {  	[tilespmem:s18+$0x8510] =	vst v1  }
0x103: {  	v1 =	vld [tilespmem:s29+$0x520];
	_ =	sdelay $0x4  }
0x104: {  	[tilespmem:s18+$0x8520] =	vst v1  }
0x105: {  	v1 =	vld [tilespmem:s29+$0x530];
	_ =	sdelay $0x4  }
0x106: {  	[tilespmem:s18+$0x8530] =	vst v1  }
0x107: {  	v1 =	vld [tilespmem:s28+$0x580];
	_ =	sdelay $0x4  }
0x108: {  	[tilespmem:s18+$0x8580] =	vst v1  }
0x109: {  	v1 =	vld [tilespmem:s28+$0x590]  }
0x10a: {  	(v2sf) =	vpush v0, $0x5  }
0x10b: {  	(v2sf) =	vpush v0, $0x4;
	_ =	sdelay $0x2  }
0x10c: {  	[tilespmem:s18+$0x8590] =	vst v1  }
0x10d: {  	v1 =	vld [tilespmem:s28+$0x5A0];
	_ =	sdelay $0x4  }
0x10e: {  	[tilespmem:s18+$0x85A0] =	vst v1  }
0x10f: {  	v1 =	vld [tilespmem:s28+$0x5B0];
	_ =	sdelay $0x3  }
0x110: {  	s30 =	spop (v2sf)  }
0x111: {  	s31 =	spop (v2sf);
	[tilespmem:s18+$0x85B0] =	vst v1  }
0x112: {  	v1 =	vld [tilespmem:s31+$0x600];
	_ =	sdelay $0x4  }
0x113: {  	[tilespmem:s18+$0x8600] =	vst v1  }
0x114: {  	v1 =	vld [tilespmem:s31+$0x610];
	_ =	sdelay $0x4  }
0x115: {  	[tilespmem:s18+$0x8610] =	vst v1  }
0x116: {  	v1 =	vld [tilespmem:s31+$0x620];
	_ =	sdelay $0x4  }
0x117: {  	[tilespmem:s18+$0x8620] =	vst v1  }
0x118: {  	v1 =	vld [tilespmem:s31+$0x630];
	_ =	sdelay $0x4  }
0x119: {  	[tilespmem:s18+$0x8630] =	vst v1  }
0x11a: {  	v1 =	vld [tilespmem:s30+$0x680];
	_ =	sdelay $0x4  }
0x11b: {  	[tilespmem:s18+$0x8680] =	vst v1  }
0x11c: {  	v1 =	vld [tilespmem:s30+$0x690]  }
0x11d: {  	(v2sf) =	vpush v0, $0x7  }
0x11e: {  	(v2sf) =	vpush v0, $0x6;
	_ =	sdelay $0x2  }
0x11f: {  	[tilespmem:s18+$0x8690] =	vst v1  }
0x120: {  	v1 =	vld [tilespmem:s30+$0x6A0];
	_ =	sdelay $0x4  }
0x121: {  	[tilespmem:s18+$0x86A0] =	vst v1  }
0x122: {  	v1 =	vld [tilespmem:s30+$0x6B0];
	_ =	sdelay $0x3  }
0x123: {  	s21 =	spop (v2sf)  }
0x124: {  	s22 =	spop (v2sf);
	[tilespmem:s18+$0x86B0] =	vst v1  }
0x125: {  	v1 =	vld [tilespmem:s22+$0x700];
	_ =	sdelay $0x4  }
0x126: {  	[tilespmem:s18+$0x8700] =	vst v1  }
0x127: {  	v1 =	vld [tilespmem:s22+$0x710];
	_ =	sdelay $0x4  }
0x128: {  	[tilespmem:s18+$0x8710] =	vst v1  }
0x129: {  	v1 =	vld [tilespmem:s22+$0x720];
	_ =	sdelay $0x4  }
0x12a: {  	[tilespmem:s18+$0x8720] =	vst v1  }
0x12b: {  	v1 =	vld [tilespmem:s22+$0x730];
	_ =	sdelay $0x4  }
0x12c: {  	[tilespmem:s18+$0x8730] =	vst v1  }
0x12d: {  	v1 =	vld [tilespmem:s21+$0x780];
	_ =	sdelay $0x4  }
0x12e: {  	[tilespmem:s18+$0x8780] =	vst v1  }
0x12f: {  	v1 =	vld [tilespmem:s21+$0x790]  }
0x130: {  	(v2sf) =	vpush v0, $0x9  }
0x131: {  	(v2sf) =	vpush v0, $0x8;
	_ =	sdelay $0x2  }
0x132: {  	[tilespmem:s18+$0x8790] =	vst v1  }
0x133: {  	v1 =	vld [tilespmem:s21+$0x7A0];
	_ =	sdelay $0x4  }
0x134: {  	[tilespmem:s18+$0x87A0] =	vst v1  }
0x135: {  	v1 =	vld [tilespmem:s21+$0x7B0];
	_ =	sdelay $0x3  }
0x136: {  	s23 =	spop (v2sf)  }
0x137: {  	s24 =	spop (v2sf);
	[tilespmem:s18+$0x87B0] =	vst v1  }
0x138: {  	v1 =	vld [tilespmem:s24+$0x800];
	_ =	sdelay $0x4  }
0x139: {  	[tilespmem:s18+$0x8800] =	vst v1  }
0x13a: {  	v1 =	vld [tilespmem:s24+$0x810];
	_ =	sdelay $0x4  }
0x13b: {  	[tilespmem:s18+$0x8810] =	vst v1  }
0x13c: {  	v1 =	vld [tilespmem:s24+$0x820];
	_ =	sdelay $0x4  }
0x13d: {  	[tilespmem:s18+$0x8820] =	vst v1  }
0x13e: {  	v1 =	vld [tilespmem:s24+$0x830];
	_ =	sdelay $0x4  }
0x13f: {  	[tilespmem:s18+$0x8830] =	vst v1  }
0x140: {  	v1 =	vld [tilespmem:s23+$0x880];
	_ =	sdelay $0x4  }
0x141: {  	[tilespmem:s18+$0x8880] =	vst v1  }
0x142: {  	v1 =	vld [tilespmem:s23+$0x890]  }
0x143: {  	(v2sf) =	vpush v0, $0xB  }
0x144: {  	(v2sf) =	vpush v0, $0xA;
	_ =	sdelay $0x2  }
0x145: {  	[tilespmem:s18+$0x8890] =	vst v1  }
0x146: {  	v1 =	vld [tilespmem:s23+$0x8A0];
	_ =	sdelay $0x4  }
0x147: {  	[tilespmem:s18+$0x88A0] =	vst v1  }
0x148: {  	v1 =	vld [tilespmem:s23+$0x8B0];
	_ =	sdelay $0x3  }
0x149: {  	s25 =	spop (v2sf)  }
0x14a: {  	s26 =	spop (v2sf);
	[tilespmem:s18+$0x88B0] =	vst v1  }
0x14b: {  	v1 =	vld [tilespmem:s26+$0x900];
	_ =	sdelay $0x4  }
0x14c: {  	[tilespmem:s18+$0x8900] =	vst v1  }
0x14d: {  	v1 =	vld [tilespmem:s26+$0x910];
	_ =	sdelay $0x4  }
0x14e: {  	[tilespmem:s18+$0x8910] =	vst v1  }
0x14f: {  	v1 =	vld [tilespmem:s26+$0x920];
	_ =	sdelay $0x4  }
0x150: {  	[tilespmem:s18+$0x8920] =	vst v1  }
0x151: {  	v1 =	vld [tilespmem:s26+$0x930];
	_ =	sdelay $0x4  }
0x152: {  	[tilespmem:s18+$0x8930] =	vst v1  }
0x153: {  	v1 =	vld [tilespmem:s25+$0x980];
	_ =	sdelay $0x4  }
0x154: {  	[tilespmem:s18+$0x8980] =	vst v1  }
0x155: {  	v1 =	vld [tilespmem:s25+$0x990]  }
0x156: {  	(v2sf) =	vpush v0, $0xD  }
0x157: {  	(v2sf) =	vpush v0, $0xC;
	_ =	sdelay $0x2  }
0x158: {  	[tilespmem:s18+$0x8990] =	vst v1  }
0x159: {  	v1 =	vld [tilespmem:s25+$0x9A0];
	_ =	sdelay $0x4  }
0x15a: {  	[tilespmem:s18+$0x89A0] =	vst v1  }
0x15b: {  	v1 =	vld [tilespmem:s25+$0x9B0];
	_ =	sdelay $0x3  }
0x15c: {  	s28 =	spop (v2sf)  }
0x15d: {  	s29 =	spop (v2sf);
	[tilespmem:s18+$0x89B0] =	vst v1  }
0x15e: {  	v1 =	vld [tilespmem:s29+$0xA00];
	_ =	sdelay $0x4  }
0x15f: {  	[tilespmem:s18+$0x8A00] =	vst v1  }
0x160: {  	v1 =	vld [tilespmem:s29+$0xA10];
	_ =	sdelay $0x4  }
0x161: {  	[tilespmem:s18+$0x8A10] =	vst v1  }
0x162: {  	v1 =	vld [tilespmem:s29+$0xA20];
	_ =	sdelay $0x4  }
0x163: {  	[tilespmem:s18+$0x8A20] =	vst v1  }
0x164: {  	v1 =	vld [tilespmem:s29+$0xA30];
	_ =	sdelay $0x4  }
0x165: {  	[tilespmem:s18+$0x8A30] =	vst v1  }
0x166: {  	v1 =	vld [tilespmem:s28+$0xA80];
	_ =	sdelay $0x4  }
0x167: {  	[tilespmem:s18+$0x8A80] =	vst v1  }
0x168: {  	v1 =	vld [tilespmem:s28+$0xA90]  }
0x169: {  	(v2sf) =	vpush v0, $0xF  }
0x16a: {  	(v2sf) =	vpush v0, $0xE;
	_ =	sdelay $0x2  }
0x16b: {  	[tilespmem:s18+$0x8A90] =	vst v1  }
0x16c: {  	v63 =	vld [tilespmem:s28+$0xAA0];
	_ =	sdelay $0x4  }
0x16d: {  	[tilespmem:s18+$0x8AA0] =	vst v63  }
0x16e: {  	v0 =	vld [tilespmem:s28+$0xAB0];
	_ =	sdelay $0x3  }
0x16f: {  	s30 =	spop (v2sf)  }
0x170: {  	s31 =	spop (v2sf);
	[tilespmem:s18+$0x8AB0] =	vst v0  }
0x171: {  	v0 =	vld [tilespmem:s31+$0xB00];
	_ =	sdelay $0x4  }
0x172: {  	[tilespmem:s18+$0x8B00] =	vst v0  }
0x173: {  	v0 =	vld [tilespmem:s31+$0xB10];
	_ =	sdelay $0x4  }
0x174: {  	[tilespmem:s18+$0x8B10] =	vst v0  }
0x175: {  	v0 =	vld [tilespmem:s31+$0xB20];
	_ =	sdelay $0x4  }
0x176: {  	[tilespmem:s18+$0x8B20] =	vst v0  }
0x177: {  	v0 =	vld [tilespmem:s31+$0xB30];
	_ =	sdelay $0x4  }
0x178: {  	[tilespmem:s18+$0x8B30] =	vst v0  }
0x179: {  	v0 =	vld [tilespmem:s30+$0xB80];
	_ =	sdelay $0x4  }
0x17a: {  	[tilespmem:s18+$0x8B80] =	vst v0  }
0x17b: {  	v0 =	vld [tilespmem:s30+$0xB90];
	_ =	sdelay $0x4  }
0x17c: {  	[tilespmem:s18+$0x8B90] =	vst v0  }
0x17d: {  	v0 =	vld [tilespmem:s30+$0xBA0];
	_ =	sdelay $0x4  }
0x17e: {  	[tilespmem:s18+$0x8BA0] =	vst v0  }
0x17f: {  	p0 =	sne.s32 s17, $0x1E000;
	v0 =	vld [tilespmem:s30+$0xBB0]  }
.Ltmp1:
0x180: {  	_ = 	snop;
	(pc) =	sbr.rel @p0 .LBB2_4-.Ltmp1, $2  }
0x181: {  	_ =	sdelay $0x2  }
0x182: {  	s16 =	sadd.s32 $0x10, s16;
	s17 =	sadd.s32 $0x2000, s17;
	[tilespmem:s18+$0x8BB0] =	vst v0  }
0x183: {  	s15 =	sadd.s32 $0x1, s15  }
0x184: {  	p0 =	sne.s32 s15, s7  }
.Ltmp2:
0x185: {  	_ = 	snop;
	(pc) =	sbr.rel @p0 .LBB2_1-.Ltmp2, $4  }
0x186: {  	[hbm4b:s6+s2] =	stream.linear.scatter [tilespmem:s13], [sflag:$0x2], $0x8000, $0x38;
	[tilespmem:$0x10400] =	vst v63  }
0x187: {  	_ =	swait.ge [sflag:s8], $0x8000  }
0x188: {  	[sflag:s8] =	ssyncset.done $0x0  }
0x189: {  	[sflag:s8] =	ssyncadd.s32 $0xFFFF8000  }
0x18a: {  	_ =	sfence.sel $0x180000  }
0x18b: {  	[bflag:$0x0] =	sbarrier.arrive $0xFFFF  }
0x18c: {  	p0 =	sne.s32 s1, $0x0;
	_ =	strace $0x90000047  }
0x18d: {  	s0 =	sadd.s32 @!p0 $0x100000, s0;
	[bflag:$0x2] =	sbarrier.arrive $0xFFFF  }
0x18e: {  	[sflag:s0] =	ssyncadd.tile.s32 @!p0 $0x1;
	_ =	shalt  }
.Lfunc_end2:
_tile_overlayer_lowered:
.L_overlay_start_2:
0x18f: {  	(tag) =	ssettag $0x2  }
0x190: {  	s0 =	rddreg [dreg:$0x0];
	s2 =	stileid.u32  }
0x191: {  	s1 =	rddreg [dreg:$0x1];
	p0 =	sne.s32 s2, $0x0  }
0x192: {  	s3 =	rddreg [dreg:$0x2];
	[bflag:$0x3] =	sbarrier.arrive $0xFFFF;
	s2 =	simm.s32 @!p0 $0x1C02  }
0x193: {  	[timem:s3], [sflag:s2] =	dma.local @!p0 [hbm:s0], s1  }
0x194: {  	s0 =	simm.s32 @!p0 $0x2  }
0x195: {  	_ =	swait.ge @!p0 [sflag:s0], s1  }
0x196: {  	s1 =	ssub.s32 @!p0 $0x0, s1;
	[sflag:s0] =	ssyncset.done @!p0 $0x0  }
0x197: {  	[sflag:s0] =	ssyncadd.s32 @!p0 s1  }
0x198: {  	[bflag:$0x3] =	sbarrier.arrive $0xFFFF  }
0x199: {  	_ =	shalt  }

</sc_bundles>
